<compile_context>
chip_gen: v7x
topology: tpu7x:2x2x1
jax: 0.10.2.dev20260603
libtpu: 0.0.44.dev20260713+nightly
codegen_flags: <defaults>
</compile_context>

<pallas_src>
import dataclasses
import functools

import jax
import jax.numpy as jnp
from jax import lax
from jax.experimental import pallas as pl
from jax.experimental.pallas import tpu as pltpu
from jax.experimental.pallas import tpu_sc as plsc

EMBED = 64
NUM_REL = 11
NUM_DT = 51
TBL_R = 16
TBL_W = 128
NC = 2
NS = 16
LANES = 16
NW = NC * NS

BATCH = 16384
SEQ = 50
COLS = 128
ACT_COLS = 64
ROWS_W = BATCH // NW
CHUNK_ROWS = 64
NCHUNK = ROWS_W // CHUNK_ROWS


def _table_body(rel_emb_ref, time_emb_ref, wa_ref, wb_ref, b1_ref, w2_ref,
                b2_ref, out_ref):
    p1 = lax.dot_general(
        rel_emb_ref[...], wa_ref[...], (((1,), (1,)), ((), ())),
        preferred_element_type=jnp.float32, precision=lax.Precision.HIGHEST)
    p2 = lax.dot_general(
        time_emb_ref[...], wb_ref[...], (((1,), (1,)), ((), ())),
        preferred_element_type=jnp.float32, precision=lax.Precision.HIGHEST)
    hidden = jnp.tanh(p1[:, None, :] + p2[None, :, :] + b1_ref[...])
    pre = jnp.sum(hidden * w2_ref[...], axis=-1) + b2_ref[0, 0]
    table = jnp.tanh(pre)
    r_io = lax.broadcasted_iota(jnp.int32, (NUM_REL, NUM_DT), 0)
    d_io = lax.broadcasted_iota(jnp.int32, (NUM_REL, NUM_DT), 1)
    table = jnp.where((r_io != 0) | (d_io != 0), table, 0.0)
    out_ref[...] = jnp.pad(
        table, ((0, TBL_R - NUM_REL), (0, TBL_W - NUM_DT)))


_table_call = pl.pallas_call(
    _table_body,
    out_shape=jax.ShapeDtypeStruct((TBL_R, TBL_W), jnp.float32),
)


def _gather_body(table_hbm, idx_hbm, out_hbm, table_v,
                 idx_v0, idx_v1, out_v0, out_v1,
                 sem_t, sem_i0, sem_i1, sem_o0, sem_o1):
    wid = lax.axis_index("s") * NC + lax.axis_index("c")
    row0 = wid * ROWS_W
    pltpu.async_copy(table_hbm, table_v, sem_t).wait()

    idx_bufs = (idx_v0, idx_v1)
    out_bufs = (out_v0, out_v1)
    in_sems = (sem_i0, sem_i1)
    out_sems = (sem_o0, sem_o1)

    def rows_at(k):
        return pl.ds(row0 + k * CHUNK_ROWS, CHUNK_ROWS)

    def compute(idx_v, out_v):
        @pl.loop(0, CHUNK_ROWS)
        def _(row):
            @pl.loop(0, ACT_COLS, step=LANES)
            def _(c):
                iv = idx_v[row, pl.ds(c, LANES)]
                r = jnp.minimum(iv >> 7, NUM_REL - 1)
                d = jnp.minimum(iv & (TBL_W - 1), NUM_DT - 1)
                out_v[row, pl.ds(c, LANES)] = plsc.load_gather(table_v, [r, d])

    cp_in = [None] * NCHUNK
    cp_out = [None] * NCHUNK
    cp_in[0] = pltpu.async_copy(idx_hbm.at[rows_at(0)], idx_bufs[0], in_sems[0])
    for k in range(NCHUNK):
        b = k % 2
        cp_in[k].wait()
        if k + 1 < NCHUNK:
            cp_in[k + 1] = pltpu.async_copy(
                idx_hbm.at[rows_at(k + 1)], idx_bufs[(k + 1) % 2],
                in_sems[(k + 1) % 2])
        if k >= 2:
            cp_out[k - 2].wait()
        compute(idx_bufs[b], out_bufs[b])
        cp_out[k] = pltpu.async_copy(out_bufs[b], out_hbm.at[rows_at(k)],
                                     out_sems[b])
    cp_out[NCHUNK - 2].wait()
    cp_out[NCHUNK - 1].wait()


@functools.cache
def _make_gather_kernel():
    cp = pltpu.CompilerParams()
    if "needs_layout_passes" in pltpu.CompilerParams.__dataclass_fields__:
        cp = dataclasses.replace(cp, needs_layout_passes=False)
    return pl.kernel(
        _gather_body,
        compiler_params=cp,
        out_type=jax.ShapeDtypeStruct((BATCH, COLS), jnp.float32),
        mesh=plsc.VectorSubcoreMesh(core_axis_name="c", subcore_axis_name="s",
                                    num_cores=NC, num_subcores=NS),
        scratch_types=[
            pltpu.VMEM((TBL_R, TBL_W), jnp.float32),
            pltpu.VMEM((CHUNK_ROWS, COLS), jnp.int32),
            pltpu.VMEM((CHUNK_ROWS, COLS), jnp.int32),
            pltpu.VMEM((CHUNK_ROWS, COLS), jnp.float32),
            pltpu.VMEM((CHUNK_ROWS, COLS), jnp.float32),
            pltpu.SemaphoreType.DMA,
            pltpu.SemaphoreType.DMA,
            pltpu.SemaphoreType.DMA,
            pltpu.SemaphoreType.DMA,
            pltpu.SemaphoreType.DMA,
        ],
    )


def kernel(batch_rel_pos, batch_time_pos, rel_emb, time_emb, W1, b1, W2, b2):
    wa = W1[:, :EMBED]
    wb = W1[:, EMBED:]
    table = _table_call(rel_emb, time_emb, wa, wb,
                        b1.reshape(1, EMBED), W2.reshape(1, EMBED),
                        b2.reshape(1, 1))
    rel = batch_rel_pos.astype(jnp.int32)
    dt = batch_time_pos.astype(jnp.int32)
    idx = jnp.pad(rel * TBL_W + dt, ((0, 0), (0, COLS - SEQ)))
    out = _make_gather_kernel()(table, idx)
    return out[:, :SEQ]

# --- scband reference (transcript-rebuilt; emitter-appended) ---
"""Pipeline reference for scband-examination-model-76587856822778 (READ-ONLY COPY).

The authoritative reference and input builder live on the scoring server;
editing this copy changes nothing except your own understanding.
"""

import jax, jax.numpy as jnp
import numpy as np

G_MAX_REL = 10
G_MAX_DT = 50
EMB = 64  # embedding_size // 2

def setup_inputs(seed: int = 0) -> dict:
    key = jax.random.key(seed)
    k1, k2, k3, k4, k5, k6, k7, k8 = jax.random.split(key, 8)
    batch_rel_pos = jax.random.randint(k1, (16384, 50), 0, 11, dtype=jnp.int64 if jax.config.jax_enable_x64 else jnp.int32)
    batch_time_pos = jax.random.randint(k2, (16384, 50), 0, 51, dtype=jnp.int64 if jax.config.jax_enable_x64 else jnp.int32)
    rel_emb = jax.random.normal(k3, (G_MAX_REL + 1, EMB), dtype=jnp.float32)
    rel_emb = rel_emb.at[0].set(0.0)  # padding_idx=0
    time_emb = jax.random.normal(k4, (G_MAX_DT + 1, EMB), dtype=jnp.float32)
    time_emb = time_emb.at[0].set(0.0)  # padding_idx=0
    W1 = jax.random.normal(k5, (EMB, 2 * EMB), dtype=jnp.float32) * (1.0 / np.sqrt(2 * EMB))
    b1 = jnp.zeros((EMB,), dtype=jnp.float32)
    W2 = jax.random.normal(k6, (1, EMB), dtype=jnp.float32) * (1.0 / np.sqrt(EMB))
    b2 = jnp.zeros((1,), dtype=jnp.float32)
    return {
        "batch_rel_pos": batch_rel_pos,
        "batch_time_pos": batch_time_pos,
        "rel_emb": rel_emb,
        "time_emb": time_emb,
        "W1": W1,
        "b1": b1,
        "W2": W2,
        "b2": b2,
    }

def reference(batch_rel_pos, batch_time_pos, rel_emb, time_emb, W1, b1, W2, b2):
    rel = jnp.clip(batch_rel_pos, 0, G_MAX_REL)
    dt = jnp.clip(batch_time_pos, 0, G_MAX_DT)
    doc_mask = (rel != 0) | (dt != 0)
    e1 = jnp.take(rel_emb, rel, axis=0)   # [B, L, EMB]
    e2 = jnp.take(time_emb, dt, axis=0)   # [B, L, EMB]
    hidden0 = jnp.concatenate([e1, e2], axis=-1)  # [B, L, 2*EMB]
    hidden1 = jnp.tanh(hidden0 @ W1.T + b1)
    # dropout p=0.0 -> identity
    final_output = jnp.tanh(hidden1 @ W2.T + b2)
    final_output = jnp.squeeze(final_output, axis=-1) * doc_mask.astype(jnp.float32)
    return final_output

if __name__ == "__main__":
    import jax
    _d = setup_inputs()
    print(jax.jit(kernel)(*tuple(_d.values())))

</pallas_src>

<mosaic_0001>
#map = affine_map<(d0, d1) -> (0, 0)>
module attributes {stable_mosaic.version = 14 : i64} {
  func.func @_gather_body(%arg0: i32, %arg1: i32, %arg2: memref<16x128xf32, #tpu.memory_space<hbm>>, %arg3: memref<16384x128xi32, #tpu.memory_space<hbm>>, %arg4: memref<16384x128xf32, #tpu.memory_space<hbm>>, %arg5: memref<16x128xf32, #tpu.memory_space<vmem>>, %arg6: memref<64x128xi32, #tpu.memory_space<vmem>>, %arg7: memref<64x128xi32, #tpu.memory_space<vmem>>, %arg8: memref<64x128xf32, #tpu.memory_space<vmem>>, %arg9: memref<64x128xf32, #tpu.memory_space<vmem>>, %arg10: memref<!tpu.dma_semaphore, #tpu.memory_space<semaphore_mem>>, %arg11: memref<!tpu.dma_semaphore, #tpu.memory_space<semaphore_mem>>, %arg12: memref<!tpu.dma_semaphore, #tpu.memory_space<semaphore_mem>>, %arg13: memref<!tpu.dma_semaphore, #tpu.memory_space<semaphore_mem>>, %arg14: memref<!tpu.dma_semaphore, #tpu.memory_space<semaphore_mem>>) attributes {dimension_semantics = [#tpu.dimension_semantics<core_parallel>, #tpu.dimension_semantics<subcore_parallel>], iteration_bounds = array<i64: 2, 16>, scalar_prefetch = 0 : i64, scratch_operands = 10 : i64, tpu.core_type = #tpu.core_type<sc_vector_subcore>, window_params = [{transform_indices = #map}, {transform_indices = #map}, {transform_indices = #map}]} {
    %mul3A = arith.constant 2 : i32
    %mul3A_0 = arith.muli %arg1, %mul3A : i32
    %add3A = arith.addi %mul3A_0, %arg0 : i32
    %mul3A_1 = arith.constant 512 : i32
    %mul3A_2 = arith.muli %add3A, %mul3A_1 : i32
    tpu.enqueue_dma source(%arg2 : memref<16x128xf32, #tpu.memory_space<hbm>>) target(%arg5 : memref<16x128xf32, #tpu.memory_space<vmem>>) target_semaphore(%arg10 : memref<!tpu.dma_semaphore, #tpu.memory_space<semaphore_mem>>)
    tpu.wait_dma2 semaphore(%arg10 : memref<!tpu.dma_semaphore, #tpu.memory_space<semaphore_mem>>) src(%arg2 : memref<16x128xf32, #tpu.memory_space<hbm>>) dst(%arg5 : memref<16x128xf32, #tpu.memory_space<vmem>>)
    %add3A_3 = arith.constant 0 : i32
    %add3A_4 = arith.addi %mul3A_2, %add3A_3 : i32
    %dma_start3A = arith.constant 0 : i32
    %dma_start3A_5 = tpu.memref_slice %arg3[%add3A_4, %dma_start3A] : memref<16384x128xi32, #tpu.memory_space<hbm>> -> memref<64x128xi32, #tpu.memory_space<hbm>>
    %dma_start3A_6 = arith.constant 0 : i32
    %dma_start3A_7 = tpu.memref_slice %arg3[%add3A_4, %dma_start3A_6] : memref<16384x128xi32, #tpu.memory_space<hbm>> -> memref<64x128xi32, #tpu.memory_space<hbm>>
    tpu.enqueue_dma source(%dma_start3A_7 : memref<64x128xi32, #tpu.memory_space<hbm>>) target(%arg6 : memref<64x128xi32, #tpu.memory_space<vmem>>) target_semaphore(%arg11 : memref<!tpu.dma_semaphore, #tpu.memory_space<semaphore_mem>>)
    %dma_wait3A = arith.constant 0 : i32
    %dma_wait3A_8 = tpu.memref_slice %arg3[%add3A_4, %dma_wait3A] : memref<16384x128xi32, #tpu.memory_space<hbm>> -> memref<64x128xi32, #tpu.memory_space<hbm>>
    %dma_wait3A_9 = arith.constant 0 : i32
    %dma_wait3A_10 = tpu.memref_slice %arg3[%add3A_4, %dma_wait3A_9] : memref<16384x128xi32, #tpu.memory_space<hbm>> -> memref<64x128xi32, #tpu.memory_space<hbm>>
    tpu.wait_dma2 semaphore(%arg11 : memref<!tpu.dma_semaphore, #tpu.memory_space<semaphore_mem>>) src(%dma_wait3A_10 : memref<64x128xi32, #tpu.memory_space<hbm>>) dst(%arg6 : memref<64x128xi32, #tpu.memory_space<vmem>>)
    %add3A_11 = arith.constant 64 : i32
    %add3A_12 = arith.addi %mul3A_2, %add3A_11 : i32
    %dma_start3A_13 = arith.constant 0 : i32
    %dma_start3A_14 = tpu.memref_slice %arg3[%add3A_12, %dma_start3A_13] : memref<16384x128xi32, #tpu.memory_space<hbm>> -> memref<64x128xi32, #tpu.memory_space<hbm>>
    %dma_start3A_15 = arith.constant 0 : i32
    %dma_start3A_16 = tpu.memref_slice %arg3[%add3A_12, %dma_start3A_15] : memref<16384x128xi32, #tpu.memory_space<hbm>> -> memref<64x128xi32, #tpu.memory_space<hbm>>
    tpu.enqueue_dma source(%dma_start3A_16 : memref<64x128xi32, #tpu.memory_space<hbm>>) target(%arg7 : memref<64x128xi32, #tpu.memory_space<vmem>>) target_semaphore(%arg12 : memref<!tpu.dma_semaphore, #tpu.memory_space<semaphore_mem>>)
    %scan3A = arith.constant 0 : i32
    %scan3A_17 = arith.constant 64 : i32
    %scan3A_18 = arith.addi %scan3A, %scan3A_17 : i32
    %scan3A_19 = arith.constant 1 : i32
    scf.for %scan3A_200 = %scan3A to %scan3A_18 step %scan3A_19  : i32 {
      %mul3A_201 = arith.constant 1 : i32
      %mul3A_202 = arith.muli %scan3A_200, %mul3A_201 : i32
      %add3A_203 = arith.constant 0 : i32
      %add3A_204 = arith.addi %add3A_203, %mul3A_202 : i32
      %scan3A_205 = arith.constant 0 : i32
      %scan3A_206 = arith.constant 4 : i32
      %scan3A_207 = arith.addi %scan3A_205, %scan3A_206 : i32
      %scan3A_208 = arith.constant 1 : i32
      scf.for %scan3A_210 = %scan3A_205 to %scan3A_207 step %scan3A_208  : i32 {
        %mul3A_211 = arith.constant 16 : i32
        %mul3A_212 = arith.muli %scan3A_210, %mul3A_211 : i32
        %add3A_213 = arith.constant 0 : i32
        %add3A_214 = arith.addi %add3A_213, %mul3A_212 : i32
        %get3A = arith.index_cast %add3A_204 : i32 to index
        %get3A_215 = arith.index_cast %add3A_214 : i32 to index
        %get3A_216 = tpu.vector_load %arg6[%get3A, %get3A_215] {strides = array<i32>} : memref<64x128xi32, #tpu.memory_space<vmem>>, vector<16xi32>,
        %shift_right_arithmetic3A = arith.constant 7 : i32
        %shift_right_arithmetic3A_217 = vector.broadcast %shift_right_arithmetic3A : i32 to vector<16xi32>
        %shift_right_arithmetic3A_218 = arith.shrsi %get3A_216, %shift_right_arithmetic3A_217 : vector<16xi32>
        %min3A = arith.constant 10 : i32
        %min3A_219 = vector.broadcast %min3A : i32 to vector<16xi32>
        %min3A_220 = arith.minsi %shift_right_arithmetic3A_218, %min3A_219 : vector<16xi32>
        %and3A = arith.constant 127 : i32
        %and3A_221 = vector.broadcast %and3A : i32 to vector<16xi32>
        %and3A_222 = arith.andi %get3A_216, %and3A_221 : vector<16xi32>
        %min3A_223 = arith.constant 50 : i32
        %min3A_224 = vector.broadcast %min3A_223 : i32 to vector<16xi32>
        %min3A_225 = arith.minsi %and3A_222, %min3A_224 : vector<16xi32>
        %gather3A = tpu.vector_load_idx %arg5[%min3A_220, %min3A_225] : memref<16x128xf32, #tpu.memory_space<vmem>>[vector<16xi32>, vector<16xi32>], vector<16xf32>,
        %swap3A = arith.index_cast %add3A_204 : i32 to index
        %swap3A_226 = arith.index_cast %add3A_214 : i32 to index
        %swap3A_227 = tpu.vector_load %arg8[%swap3A, %swap3A_226] {strides = array<i32>} : memref<64x128xf32, #tpu.memory_space<vmem>>, vector<16xf32>,
        tpu.vector_store %arg8[%swap3A, %swap3A_226], %gather3A {strides = array<i32>} : memref<64x128xf32, #tpu.memory_space<vmem>>, vector<16xf32>,
      }
      %scan3A_209 = arith.constant 4 : i32
    }
    %scan3A_20 = arith.constant 64 : i32
    %add3A_21 = arith.constant 0 : i32
    %add3A_22 = arith.addi %mul3A_2, %add3A_21 : i32
    %dma_start3A_23 = arith.constant 0 : i32
    %dma_start3A_24 = tpu.memref_slice %arg4[%add3A_22, %dma_start3A_23] : memref<16384x128xf32, #tpu.memory_space<hbm>> -> memref<64x128xf32, #tpu.memory_space<hbm>>
    %dma_start3A_25 = arith.constant 0 : i32
    %dma_start3A_26 = tpu.memref_slice %arg4[%add3A_22, %dma_start3A_25] : memref<16384x128xf32, #tpu.memory_space<hbm>> -> memref<64x128xf32, #tpu.memory_space<hbm>>
    tpu.enqueue_dma source(%arg8 : memref<64x128xf32, #tpu.memory_space<vmem>>) target(%dma_start3A_26 : memref<64x128xf32, #tpu.memory_space<hbm>>) target_semaphore(%arg13 : memref<!tpu.dma_semaphore, #tpu.memory_space<semaphore_mem>>)
    %dma_wait3A_27 = arith.constant 0 : i32
    %dma_wait3A_28 = tpu.memref_slice %arg3[%add3A_12, %dma_wait3A_27] : memref<16384x128xi32, #tpu.memory_space<hbm>> -> memref<64x128xi32, #tpu.memory_space<hbm>>
    %dma_wait3A_29 = arith.constant 0 : i32
    %dma_wait3A_30 = tpu.memref_slice %arg3[%add3A_12, %dma_wait3A_29] : memref<16384x128xi32, #tpu.memory_space<hbm>> -> memref<64x128xi32, #tpu.memory_space<hbm>>
    tpu.wait_dma2 semaphore(%arg12 : memref<!tpu.dma_semaphore, #tpu.memory_space<semaphore_mem>>) src(%dma_wait3A_30 : memref<64x128xi32, #tpu.memory_space<hbm>>) dst(%arg7 : memref<64x128xi32, #tpu.memory_space<vmem>>)
    %add3A_31 = arith.constant 128 : i32
    %add3A_32 = arith.addi %mul3A_2, %add3A_31 : i32
    %dma_start3A_33 = arith.constant 0 : i32
    %dma_start3A_34 = tpu.memref_slice %arg3[%add3A_32, %dma_start3A_33] : memref<16384x128xi32, #tpu.memory_space<hbm>> -> memref<64x128xi32, #tpu.memory_space<hbm>>
    %dma_start3A_35 = arith.constant 0 : i32
    %dma_start3A_36 = tpu.memref_slice %arg3[%add3A_32, %dma_start3A_35] : memref<16384x128xi32, #tpu.memory_space<hbm>> -> memref<64x128xi32, #tpu.memory_space<hbm>>
    tpu.enqueue_dma source(%dma_start3A_36 : memref<64x128xi32, #tpu.memory_space<hbm>>) target(%arg6 : memref<64x128xi32, #tpu.memory_space<vmem>>) target_semaphore(%arg11 : memref<!tpu.dma_semaphore, #tpu.memory_space<semaphore_mem>>)
    %scan3A_37 = arith.constant 0 : i32
    %scan3A_38 = arith.constant 64 : i32
    %scan3A_39 = arith.addi %scan3A_37, %scan3A_38 : i32
    %scan3A_40 = arith.constant 1 : i32
    scf.for %scan3A_200 = %scan3A_37 to %scan3A_39 step %scan3A_40  : i32 {
      %mul3A_201 = arith.constant 1 : i32
      %mul3A_202 = arith.muli %scan3A_200, %mul3A_201 : i32
      %add3A_203 = arith.constant 0 : i32
      %add3A_204 = arith.addi %add3A_203, %mul3A_202 : i32
      %scan3A_205 = arith.constant 0 : i32
      %scan3A_206 = arith.constant 4 : i32
      %scan3A_207 = arith.addi %scan3A_205, %scan3A_206 : i32
      %scan3A_208 = arith.constant 1 : i32
      scf.for %scan3A_210 = %scan3A_205 to %scan3A_207 step %scan3A_208  : i32 {
        %mul3A_211 = arith.constant 16 : i32
        %mul3A_212 = arith.muli %scan3A_210, %mul3A_211 : i32
        %add3A_213 = arith.constant 0 : i32
        %add3A_214 = arith.addi %add3A_213, %mul3A_212 : i32
        %get3A = arith.index_cast %add3A_204 : i32 to index
        %get3A_215 = arith.index_cast %add3A_214 : i32 to index
        %get3A_216 = tpu.vector_load %arg7[%get3A, %get3A_215] {strides = array<i32>} : memref<64x128xi32, #tpu.memory_space<vmem>>, vector<16xi32>,
        %shift_right_arithmetic3A = arith.constant 7 : i32
        %shift_right_arithmetic3A_217 = vector.broadcast %shift_right_arithmetic3A : i32 to vector<16xi32>
        %shift_right_arithmetic3A_218 = arith.shrsi %get3A_216, %shift_right_arithmetic3A_217 : vector<16xi32>
        %min3A = arith.constant 10 : i32
        %min3A_219 = vector.broadcast %min3A : i32 to vector<16xi32>
        %min3A_220 = arith.minsi %shift_right_arithmetic3A_218, %min3A_219 : vector<16xi32>
        %and3A = arith.constant 127 : i32
        %and3A_221 = vector.broadcast %and3A : i32 to vector<16xi32>
        %and3A_222 = arith.andi %get3A_216, %and3A_221 : vector<16xi32>
        %min3A_223 = arith.constant 50 : i32
        %min3A_224 = vector.broadcast %min3A_223 : i32 to vector<16xi32>
        %min3A_225 = arith.minsi %and3A_222, %min3A_224 : vector<16xi32>
        %gather3A = tpu.vector_load_idx %arg5[%min3A_220, %min3A_225] : memref<16x128xf32, #tpu.memory_space<vmem>>[vector<16xi32>, vector<16xi32>], vector<16xf32>,
        %swap3A = arith.index_cast %add3A_204 : i32 to index
        %swap3A_226 = arith.index_cast %add3A_214 : i32 to index
        %swap3A_227 = tpu.vector_load %arg9[%swap3A, %swap3A_226] {strides = array<i32>} : memref<64x128xf32, #tpu.memory_space<vmem>>, vector<16xf32>,
        tpu.vector_store %arg9[%swap3A, %swap3A_226], %gather3A {strides = array<i32>} : memref<64x128xf32, #tpu.memory_space<vmem>>, vector<16xf32>,
      }
      %scan3A_209 = arith.constant 4 : i32
    }
    %scan3A_41 = arith.constant 64 : i32
    %add3A_42 = arith.constant 64 : i32
    %add3A_43 = arith.addi %mul3A_2, %add3A_42 : i32
    %dma_start3A_44 = arith.constant 0 : i32
    %dma_start3A_45 = tpu.memref_slice %arg4[%add3A_43, %dma_start3A_44] : memref<16384x128xf32, #tpu.memory_space<hbm>> -> memref<64x128xf32, #tpu.memory_space<hbm>>
    %dma_start3A_46 = arith.constant 0 : i32
    %dma_start3A_47 = tpu.memref_slice %arg4[%add3A_43, %dma_start3A_46] : memref<16384x128xf32, #tpu.memory_space<hbm>> -> memref<64x128xf32, #tpu.memory_space<hbm>>
    tpu.enqueue_dma source(%arg9 : memref<64x128xf32, #tpu.memory_space<vmem>>) target(%dma_start3A_47 : memref<64x128xf32, #tpu.memory_space<hbm>>) target_semaphore(%arg14 : memref<!tpu.dma_semaphore, #tpu.memory_space<semaphore_mem>>)
    %dma_wait3A_48 = arith.constant 0 : i32
    %dma_wait3A_49 = tpu.memref_slice %arg3[%add3A_32, %dma_wait3A_48] : memref<16384x128xi32, #tpu.memory_space<hbm>> -> memref<64x128xi32, #tpu.memory_space<hbm>>
    %dma_wait3A_50 = arith.constant 0 : i32
    %dma_wait3A_51 = tpu.memref_slice %arg3[%add3A_32, %dma_wait3A_50] : memref<16384x128xi32, #tpu.memory_space<hbm>> -> memref<64x128xi32, #tpu.memory_space<hbm>>
    tpu.wait_dma2 semaphore(%arg11 : memref<!tpu.dma_semaphore, #tpu.memory_space<semaphore_mem>>) src(%dma_wait3A_51 : memref<64x128xi32, #tpu.memory_space<hbm>>) dst(%arg6 : memref<64x128xi32, #tpu.memory_space<vmem>>)
    %add3A_52 = arith.constant 192 : i32
    %add3A_53 = arith.addi %mul3A_2, %add3A_52 : i32
    %dma_start3A_54 = arith.constant 0 : i32
    %dma_start3A_55 = tpu.memref_slice %arg3[%add3A_53, %dma_start3A_54] : memref<16384x128xi32, #tpu.memory_space<hbm>> -> memref<64x128xi32, #tpu.memory_space<hbm>>
    %dma_start3A_56 = arith.constant 0 : i32
    %dma_start3A_57 = tpu.memref_slice %arg3[%add3A_53, %dma_start3A_56] : memref<16384x128xi32, #tpu.memory_space<hbm>> -> memref<64x128xi32, #tpu.memory_space<hbm>>
    tpu.enqueue_dma source(%dma_start3A_57 : memref<64x128xi32, #tpu.memory_space<hbm>>) target(%arg7 : memref<64x128xi32, #tpu.memory_space<vmem>>) target_semaphore(%arg12 : memref<!tpu.dma_semaphore, #tpu.memory_space<semaphore_mem>>)
    %dma_wait3A_58 = arith.constant 0 : i32
    %dma_wait3A_59 = tpu.memref_slice %arg4[%add3A_22, %dma_wait3A_58] : memref<16384x128xf32, #tpu.memory_space<hbm>> -> memref<64x128xf32, #tpu.memory_space<hbm>>
    %dma_wait3A_60 = arith.constant 0 : i32
    %dma_wait3A_61 = tpu.memref_slice %arg4[%add3A_22, %dma_wait3A_60] : memref<16384x128xf32, #tpu.memory_space<hbm>> -> memref<64x128xf32, #tpu.memory_space<hbm>>
    tpu.wait_dma2 semaphore(%arg13 : memref<!tpu.dma_semaphore, #tpu.memory_space<semaphore_mem>>) src(%arg8 : memref<64x128xf32, #tpu.memory_space<vmem>>) dst(%dma_wait3A_61 : memref<64x128xf32, #tpu.memory_space<hbm>>)
    %scan3A_62 = arith.constant 0 : i32
    %scan3A_63 = arith.constant 64 : i32
    %scan3A_64 = arith.addi %scan3A_62, %scan3A_63 : i32
    %scan3A_65 = arith.constant 1 : i32
    scf.for %scan3A_200 = %scan3A_62 to %scan3A_64 step %scan3A_65  : i32 {
      %mul3A_201 = arith.constant 1 : i32
      %mul3A_202 = arith.muli %scan3A_200, %mul3A_201 : i32
      %add3A_203 = arith.constant 0 : i32
      %add3A_204 = arith.addi %add3A_203, %mul3A_202 : i32
      %scan3A_205 = arith.constant 0 : i32
      %scan3A_206 = arith.constant 4 : i32
      %scan3A_207 = arith.addi %scan3A_205, %scan3A_206 : i32
      %scan3A_208 = arith.constant 1 : i32
      scf.for %scan3A_210 = %scan3A_205 to %scan3A_207 step %scan3A_208  : i32 {
        %mul3A_211 = arith.constant 16 : i32
        %mul3A_212 = arith.muli %scan3A_210, %mul3A_211 : i32
        %add3A_213 = arith.constant 0 : i32
        %add3A_214 = arith.addi %add3A_213, %mul3A_212 : i32
        %get3A = arith.index_cast %add3A_204 : i32 to index
        %get3A_215 = arith.index_cast %add3A_214 : i32 to index
        %get3A_216 = tpu.vector_load %arg6[%get3A, %get3A_215] {strides = array<i32>} : memref<64x128xi32, #tpu.memory_space<vmem>>, vector<16xi32>,
        %shift_right_arithmetic3A = arith.constant 7 : i32
        %shift_right_arithmetic3A_217 = vector.broadcast %shift_right_arithmetic3A : i32 to vector<16xi32>
        %shift_right_arithmetic3A_218 = arith.shrsi %get3A_216, %shift_right_arithmetic3A_217 : vector<16xi32>
        %min3A = arith.constant 10 : i32
        %min3A_219 = vector.broadcast %min3A : i32 to vector<16xi32>
        %min3A_220 = arith.minsi %shift_right_arithmetic3A_218, %min3A_219 : vector<16xi32>
        %and3A = arith.constant 127 : i32
        %and3A_221 = vector.broadcast %and3A : i32 to vector<16xi32>
        %and3A_222 = arith.andi %get3A_216, %and3A_221 : vector<16xi32>
        %min3A_223 = arith.constant 50 : i32
        %min3A_224 = vector.broadcast %min3A_223 : i32 to vector<16xi32>
        %min3A_225 = arith.minsi %and3A_222, %min3A_224 : vector<16xi32>
        %gather3A = tpu.vector_load_idx %arg5[%min3A_220, %min3A_225] : memref<16x128xf32, #tpu.memory_space<vmem>>[vector<16xi32>, vector<16xi32>], vector<16xf32>,
        %swap3A = arith.index_cast %add3A_204 : i32 to index
        %swap3A_226 = arith.index_cast %add3A_214 : i32 to index
        %swap3A_227 = tpu.vector_load %arg8[%swap3A, %swap3A_226] {strides = array<i32>} : memref<64x128xf32, #tpu.memory_space<vmem>>, vector<16xf32>,
        tpu.vector_store %arg8[%swap3A, %swap3A_226], %gather3A {strides = array<i32>} : memref<64x128xf32, #tpu.memory_space<vmem>>, vector<16xf32>,
      }
      %scan3A_209 = arith.constant 4 : i32
    }
    %scan3A_66 = arith.constant 64 : i32
    %add3A_67 = arith.constant 128 : i32
    %add3A_68 = arith.addi %mul3A_2, %add3A_67 : i32
    %dma_start3A_69 = arith.constant 0 : i32
    %dma_start3A_70 = tpu.memref_slice %arg4[%add3A_68, %dma_start3A_69] : memref<16384x128xf32, #tpu.memory_space<hbm>> -> memref<64x128xf32, #tpu.memory_space<hbm>>
    %dma_start3A_71 = arith.constant 0 : i32
    %dma_start3A_72 = tpu.memref_slice %arg4[%add3A_68, %dma_start3A_71] : memref<16384x128xf32, #tpu.memory_space<hbm>> -> memref<64x128xf32, #tpu.memory_space<hbm>>
    tpu.enqueue_dma source(%arg8 : memref<64x128xf32, #tpu.memory_space<vmem>>) target(%dma_start3A_72 : memref<64x128xf32, #tpu.memory_space<hbm>>) target_semaphore(%arg13 : memref<!tpu.dma_semaphore, #tpu.memory_space<semaphore_mem>>)
    %dma_wait3A_73 = arith.constant 0 : i32
    %dma_wait3A_74 = tpu.memref_slice %arg3[%add3A_53, %dma_wait3A_73] : memref<16384x128xi32, #tpu.memory_space<hbm>> -> memref<64x128xi32, #tpu.memory_space<hbm>>
    %dma_wait3A_75 = arith.constant 0 : i32
    %dma_wait3A_76 = tpu.memref_slice %arg3[%add3A_53, %dma_wait3A_75] : memref<16384x128xi32, #tpu.memory_space<hbm>> -> memref<64x128xi32, #tpu.memory_space<hbm>>
    tpu.wait_dma2 semaphore(%arg12 : memref<!tpu.dma_semaphore, #tpu.memory_space<semaphore_mem>>) src(%dma_wait3A_76 : memref<64x128xi32, #tpu.memory_space<hbm>>) dst(%arg7 : memref<64x128xi32, #tpu.memory_space<vmem>>)
    %add3A_77 = arith.constant 256 : i32
    %add3A_78 = arith.addi %mul3A_2, %add3A_77 : i32
    %dma_start3A_79 = arith.constant 0 : i32
    %dma_start3A_80 = tpu.memref_slice %arg3[%add3A_78, %dma_start3A_79] : memref<16384x128xi32, #tpu.memory_space<hbm>> -> memref<64x128xi32, #tpu.memory_space<hbm>>
    %dma_start3A_81 = arith.constant 0 : i32
    %dma_start3A_82 = tpu.memref_slice %arg3[%add3A_78, %dma_start3A_81] : memref<16384x128xi32, #tpu.memory_space<hbm>> -> memref<64x128xi32, #tpu.memory_space<hbm>>
    tpu.enqueue_dma source(%dma_start3A_82 : memref<64x128xi32, #tpu.memory_space<hbm>>) target(%arg6 : memref<64x128xi32, #tpu.memory_space<vmem>>) target_semaphore(%arg11 : memref<!tpu.dma_semaphore, #tpu.memory_space<semaphore_mem>>)
    %dma_wait3A_83 = arith.constant 0 : i32
    %dma_wait3A_84 = tpu.memref_slice %arg4[%add3A_43, %dma_wait3A_83] : memref<16384x128xf32, #tpu.memory_space<hbm>> -> memref<64x128xf32, #tpu.memory_space<hbm>>
    %dma_wait3A_85 = arith.constant 0 : i32
    %dma_wait3A_86 = tpu.memref_slice %arg4[%add3A_43, %dma_wait3A_85] : memref<16384x128xf32, #tpu.memory_space<hbm>> -> memref<64x128xf32, #tpu.memory_space<hbm>>
    tpu.wait_dma2 semaphore(%arg14 : memref<!tpu.dma_semaphore, #tpu.memory_space<semaphore_mem>>) src(%arg9 : memref<64x128xf32, #tpu.memory_space<vmem>>) dst(%dma_wait3A_86 : memref<64x128xf32, #tpu.memory_space<hbm>>)
    %scan3A_87 = arith.constant 0 : i32
    %scan3A_88 = arith.constant 64 : i32
    %scan3A_89 = arith.addi %scan3A_87, %scan3A_88 : i32
    %scan3A_90 = arith.constant 1 : i32
    scf.for %scan3A_200 = %scan3A_87 to %scan3A_89 step %scan3A_90  : i32 {
      %mul3A_201 = arith.constant 1 : i32
      %mul3A_202 = arith.muli %scan3A_200, %mul3A_201 : i32
      %add3A_203 = arith.constant 0 : i32
      %add3A_204 = arith.addi %add3A_203, %mul3A_202 : i32
      %scan3A_205 = arith.constant 0 : i32
      %scan3A_206 = arith.constant 4 : i32
      %scan3A_207 = arith.addi %scan3A_205, %scan3A_206 : i32
      %scan3A_208 = arith.constant 1 : i32
      scf.for %scan3A_210 = %scan3A_205 to %scan3A_207 step %scan3A_208  : i32 {
        %mul3A_211 = arith.constant 16 : i32
        %mul3A_212 = arith.muli %scan3A_210, %mul3A_211 : i32
        %add3A_213 = arith.constant 0 : i32
        %add3A_214 = arith.addi %add3A_213, %mul3A_212 : i32
        %get3A = arith.index_cast %add3A_204 : i32 to index
        %get3A_215 = arith.index_cast %add3A_214 : i32 to index
        %get3A_216 = tpu.vector_load %arg7[%get3A, %get3A_215] {strides = array<i32>} : memref<64x128xi32, #tpu.memory_space<vmem>>, vector<16xi32>,
        %shift_right_arithmetic3A = arith.constant 7 : i32
        %shift_right_arithmetic3A_217 = vector.broadcast %shift_right_arithmetic3A : i32 to vector<16xi32>
        %shift_right_arithmetic3A_218 = arith.shrsi %get3A_216, %shift_right_arithmetic3A_217 : vector<16xi32>
        %min3A = arith.constant 10 : i32
        %min3A_219 = vector.broadcast %min3A : i32 to vector<16xi32>
        %min3A_220 = arith.minsi %shift_right_arithmetic3A_218, %min3A_219 : vector<16xi32>
        %and3A = arith.constant 127 : i32
        %and3A_221 = vector.broadcast %and3A : i32 to vector<16xi32>
        %and3A_222 = arith.andi %get3A_216, %and3A_221 : vector<16xi32>
        %min3A_223 = arith.constant 50 : i32
        %min3A_224 = vector.broadcast %min3A_223 : i32 to vector<16xi32>
        %min3A_225 = arith.minsi %and3A_222, %min3A_224 : vector<16xi32>
        %gather3A = tpu.vector_load_idx %arg5[%min3A_220, %min3A_225] : memref<16x128xf32, #tpu.memory_space<vmem>>[vector<16xi32>, vector<16xi32>], vector<16xf32>,
        %swap3A = arith.index_cast %add3A_204 : i32 to index
        %swap3A_226 = arith.index_cast %add3A_214 : i32 to index
        %swap3A_227 = tpu.vector_load %arg9[%swap3A, %swap3A_226] {strides = array<i32>} : memref<64x128xf32, #tpu.memory_space<vmem>>, vector<16xf32>,
        tpu.vector_store %arg9[%swap3A, %swap3A_226], %gather3A {strides = array<i32>} : memref<64x128xf32, #tpu.memory_space<vmem>>, vector<16xf32>,
      }
      %scan3A_209 = arith.constant 4 : i32
    }
    %scan3A_91 = arith.constant 64 : i32
    %add3A_92 = arith.constant 192 : i32
    %add3A_93 = arith.addi %mul3A_2, %add3A_92 : i32
    %dma_start3A_94 = arith.constant 0 : i32
    %dma_start3A_95 = tpu.memref_slice %arg4[%add3A_93, %dma_start3A_94] : memref<16384x128xf32, #tpu.memory_space<hbm>> -> memref<64x128xf32, #tpu.memory_space<hbm>>
    %dma_start3A_96 = arith.constant 0 : i32
    %dma_start3A_97 = tpu.memref_slice %arg4[%add3A_93, %dma_start3A_96] : memref<16384x128xf32, #tpu.memory_space<hbm>> -> memref<64x128xf32, #tpu.memory_space<hbm>>
    tpu.enqueue_dma source(%arg9 : memref<64x128xf32, #tpu.memory_space<vmem>>) target(%dma_start3A_97 : memref<64x128xf32, #tpu.memory_space<hbm>>) target_semaphore(%arg14 : memref<!tpu.dma_semaphore, #tpu.memory_space<semaphore_mem>>)
    %dma_wait3A_98 = arith.constant 0 : i32
    %dma_wait3A_99 = tpu.memref_slice %arg3[%add3A_78, %dma_wait3A_98] : memref<16384x128xi32, #tpu.memory_space<hbm>> -> memref<64x128xi32, #tpu.memory_space<hbm>>
    %dma_wait3A_100 = arith.constant 0 : i32
    %dma_wait3A_101 = tpu.memref_slice %arg3[%add3A_78, %dma_wait3A_100] : memref<16384x128xi32, #tpu.memory_space<hbm>> -> memref<64x128xi32, #tpu.memory_space<hbm>>
    tpu.wait_dma2 semaphore(%arg11 : memref<!tpu.dma_semaphore, #tpu.memory_space<semaphore_mem>>) src(%dma_wait3A_101 : memref<64x128xi32, #tpu.memory_space<hbm>>) dst(%arg6 : memref<64x128xi32, #tpu.memory_space<vmem>>)
    %add3A_102 = arith.constant 320 : i32
    %add3A_103 = arith.addi %mul3A_2, %add3A_102 : i32
    %dma_start3A_104 = arith.constant 0 : i32
    %dma_start3A_105 = tpu.memref_slice %arg3[%add3A_103, %dma_start3A_104] : memref<16384x128xi32, #tpu.memory_space<hbm>> -> memref<64x128xi32, #tpu.memory_space<hbm>>
    %dma_start3A_106 = arith.constant 0 : i32
    %dma_start3A_107 = tpu.memref_slice %arg3[%add3A_103, %dma_start3A_106] : memref<16384x128xi32, #tpu.memory_space<hbm>> -> memref<64x128xi32, #tpu.memory_space<hbm>>
    tpu.enqueue_dma source(%dma_start3A_107 : memref<64x128xi32, #tpu.memory_space<hbm>>) target(%arg7 : memref<64x128xi32, #tpu.memory_space<vmem>>) target_semaphore(%arg12 : memref<!tpu.dma_semaphore, #tpu.memory_space<semaphore_mem>>)
    %dma_wait3A_108 = arith.constant 0 : i32
    %dma_wait3A_109 = tpu.memref_slice %arg4[%add3A_68, %dma_wait3A_108] : memref<16384x128xf32, #tpu.memory_space<hbm>> -> memref<64x128xf32, #tpu.memory_space<hbm>>
    %dma_wait3A_110 = arith.constant 0 : i32
    %dma_wait3A_111 = tpu.memref_slice %arg4[%add3A_68, %dma_wait3A_110] : memref<16384x128xf32, #tpu.memory_space<hbm>> -> memref<64x128xf32, #tpu.memory_space<hbm>>
    tpu.wait_dma2 semaphore(%arg13 : memref<!tpu.dma_semaphore, #tpu.memory_space<semaphore_mem>>) src(%arg8 : memref<64x128xf32, #tpu.memory_space<vmem>>) dst(%dma_wait3A_111 : memref<64x128xf32, #tpu.memory_space<hbm>>)
    %scan3A_112 = arith.constant 0 : i32
    %scan3A_113 = arith.constant 64 : i32
    %scan3A_114 = arith.addi %scan3A_112, %scan3A_113 : i32
    %scan3A_115 = arith.constant 1 : i32
    scf.for %scan3A_200 = %scan3A_112 to %scan3A_114 step %scan3A_115  : i32 {
      %mul3A_201 = arith.constant 1 : i32
      %mul3A_202 = arith.muli %scan3A_200, %mul3A_201 : i32
      %add3A_203 = arith.constant 0 : i32
      %add3A_204 = arith.addi %add3A_203, %mul3A_202 : i32
      %scan3A_205 = arith.constant 0 : i32
      %scan3A_206 = arith.constant 4 : i32
      %scan3A_207 = arith.addi %scan3A_205, %scan3A_206 : i32
      %scan3A_208 = arith.constant 1 : i32
      scf.for %scan3A_210 = %scan3A_205 to %scan3A_207 step %scan3A_208  : i32 {
        %mul3A_211 = arith.constant 16 : i32
        %mul3A_212 = arith.muli %scan3A_210, %mul3A_211 : i32
        %add3A_213 = arith.constant 0 : i32
        %add3A_214 = arith.addi %add3A_213, %mul3A_212 : i32
        %get3A = arith.index_cast %add3A_204 : i32 to index
        %get3A_215 = arith.index_cast %add3A_214 : i32 to index
        %get3A_216 = tpu.vector_load %arg6[%get3A, %get3A_215] {strides = array<i32>} : memref<64x128xi32, #tpu.memory_space<vmem>>, vector<16xi32>,
        %shift_right_arithmetic3A = arith.constant 7 : i32
        %shift_right_arithmetic3A_217 = vector.broadcast %shift_right_arithmetic3A : i32 to vector<16xi32>
        %shift_right_arithmetic3A_218 = arith.shrsi %get3A_216, %shift_right_arithmetic3A_217 : vector<16xi32>
        %min3A = arith.constant 10 : i32
        %min3A_219 = vector.broadcast %min3A : i32 to vector<16xi32>
        %min3A_220 = arith.minsi %shift_right_arithmetic3A_218, %min3A_219 : vector<16xi32>
        %and3A = arith.constant 127 : i32
        %and3A_221 = vector.broadcast %and3A : i32 to vector<16xi32>
        %and3A_222 = arith.andi %get3A_216, %and3A_221 : vector<16xi32>
        %min3A_223 = arith.constant 50 : i32
        %min3A_224 = vector.broadcast %min3A_223 : i32 to vector<16xi32>
        %min3A_225 = arith.minsi %and3A_222, %min3A_224 : vector<16xi32>
        %gather3A = tpu.vector_load_idx %arg5[%min3A_220, %min3A_225] : memref<16x128xf32, #tpu.memory_space<vmem>>[vector<16xi32>, vector<16xi32>], vector<16xf32>,
        %swap3A = arith.index_cast %add3A_204 : i32 to index
        %swap3A_226 = arith.index_cast %add3A_214 : i32 to index
        %swap3A_227 = tpu.vector_load %arg8[%swap3A, %swap3A_226] {strides = array<i32>} : memref<64x128xf32, #tpu.memory_space<vmem>>, vector<16xf32>,
        tpu.vector_store %arg8[%swap3A, %swap3A_226], %gather3A {strides = array<i32>} : memref<64x128xf32, #tpu.memory_space<vmem>>, vector<16xf32>,
      }
      %scan3A_209 = arith.constant 4 : i32
    }
    %scan3A_116 = arith.constant 64 : i32
    %add3A_117 = arith.constant 256 : i32
    %add3A_118 = arith.addi %mul3A_2, %add3A_117 : i32
    %dma_start3A_119 = arith.constant 0 : i32
    %dma_start3A_120 = tpu.memref_slice %arg4[%add3A_118, %dma_start3A_119] : memref<16384x128xf32, #tpu.memory_space<hbm>> -> memref<64x128xf32, #tpu.memory_space<hbm>>
    %dma_start3A_121 = arith.constant 0 : i32
    %dma_start3A_122 = tpu.memref_slice %arg4[%add3A_118, %dma_start3A_121] : memref<16384x128xf32, #tpu.memory_space<hbm>> -> memref<64x128xf32, #tpu.memory_space<hbm>>
    tpu.enqueue_dma source(%arg8 : memref<64x128xf32, #tpu.memory_space<vmem>>) target(%dma_start3A_122 : memref<64x128xf32, #tpu.memory_space<hbm>>) target_semaphore(%arg13 : memref<!tpu.dma_semaphore, #tpu.memory_space<semaphore_mem>>)
    %dma_wait3A_123 = arith.constant 0 : i32
    %dma_wait3A_124 = tpu.memref_slice %arg3[%add3A_103, %dma_wait3A_123] : memref<16384x128xi32, #tpu.memory_space<hbm>> -> memref<64x128xi32, #tpu.memory_space<hbm>>
    %dma_wait3A_125 = arith.constant 0 : i32
    %dma_wait3A_126 = tpu.memref_slice %arg3[%add3A_103, %dma_wait3A_125] : memref<16384x128xi32, #tpu.memory_space<hbm>> -> memref<64x128xi32, #tpu.memory_space<hbm>>
    tpu.wait_dma2 semaphore(%arg12 : memref<!tpu.dma_semaphore, #tpu.memory_space<semaphore_mem>>) src(%dma_wait3A_126 : memref<64x128xi32, #tpu.memory_space<hbm>>) dst(%arg7 : memref<64x128xi32, #tpu.memory_space<vmem>>)
    %add3A_127 = arith.constant 384 : i32
    %add3A_128 = arith.addi %mul3A_2, %add3A_127 : i32
    %dma_start3A_129 = arith.constant 0 : i32
    %dma_start3A_130 = tpu.memref_slice %arg3[%add3A_128, %dma_start3A_129] : memref<16384x128xi32, #tpu.memory_space<hbm>> -> memref<64x128xi32, #tpu.memory_space<hbm>>
    %dma_start3A_131 = arith.constant 0 : i32
    %dma_start3A_132 = tpu.memref_slice %arg3[%add3A_128, %dma_start3A_131] : memref<16384x128xi32, #tpu.memory_space<hbm>> -> memref<64x128xi32, #tpu.memory_space<hbm>>
    tpu.enqueue_dma source(%dma_start3A_132 : memref<64x128xi32, #tpu.memory_space<hbm>>) target(%arg6 : memref<64x128xi32, #tpu.memory_space<vmem>>) target_semaphore(%arg11 : memref<!tpu.dma_semaphore, #tpu.memory_space<semaphore_mem>>)
    %dma_wait3A_133 = arith.constant 0 : i32
    %dma_wait3A_134 = tpu.memref_slice %arg4[%add3A_93, %dma_wait3A_133] : memref<16384x128xf32, #tpu.memory_space<hbm>> -> memref<64x128xf32, #tpu.memory_space<hbm>>
    %dma_wait3A_135 = arith.constant 0 : i32
    %dma_wait3A_136 = tpu.memref_slice %arg4[%add3A_93, %dma_wait3A_135] : memref<16384x128xf32, #tpu.memory_space<hbm>> -> memref<64x128xf32, #tpu.memory_space<hbm>>
    tpu.wait_dma2 semaphore(%arg14 : memref<!tpu.dma_semaphore, #tpu.memory_space<semaphore_mem>>) src(%arg9 : memref<64x128xf32, #tpu.memory_space<vmem>>) dst(%dma_wait3A_136 : memref<64x128xf32, #tpu.memory_space<hbm>>)
    %scan3A_137 = arith.constant 0 : i32
    %scan3A_138 = arith.constant 64 : i32
    %scan3A_139 = arith.addi %scan3A_137, %scan3A_138 : i32
    %scan3A_140 = arith.constant 1 : i32
    scf.for %scan3A_200 = %scan3A_137 to %scan3A_139 step %scan3A_140  : i32 {
      %mul3A_201 = arith.constant 1 : i32
      %mul3A_202 = arith.muli %scan3A_200, %mul3A_201 : i32
      %add3A_203 = arith.constant 0 : i32
      %add3A_204 = arith.addi %add3A_203, %mul3A_202 : i32
      %scan3A_205 = arith.constant 0 : i32
      %scan3A_206 = arith.constant 4 : i32
      %scan3A_207 = arith.addi %scan3A_205, %scan3A_206 : i32
      %scan3A_208 = arith.constant 1 : i32
      scf.for %scan3A_210 = %scan3A_205 to %scan3A_207 step %scan3A_208  : i32 {
        %mul3A_211 = arith.constant 16 : i32
        %mul3A_212 = arith.muli %scan3A_210, %mul3A_211 : i32
        %add3A_213 = arith.constant 0 : i32
        %add3A_214 = arith.addi %add3A_213, %mul3A_212 : i32
        %get3A = arith.index_cast %add3A_204 : i32 to index
        %get3A_215 = arith.index_cast %add3A_214 : i32 to index
        %get3A_216 = tpu.vector_load %arg7[%get3A, %get3A_215] {strides = array<i32>} : memref<64x128xi32, #tpu.memory_space<vmem>>, vector<16xi32>,
        %shift_right_arithmetic3A = arith.constant 7 : i32
        %shift_right_arithmetic3A_217 = vector.broadcast %shift_right_arithmetic3A : i32 to vector<16xi32>
        %shift_right_arithmetic3A_218 = arith.shrsi %get3A_216, %shift_right_arithmetic3A_217 : vector<16xi32>
        %min3A = arith.constant 10 : i32
        %min3A_219 = vector.broadcast %min3A : i32 to vector<16xi32>
        %min3A_220 = arith.minsi %shift_right_arithmetic3A_218, %min3A_219 : vector<16xi32>
        %and3A = arith.constant 127 : i32
        %and3A_221 = vector.broadcast %and3A : i32 to vector<16xi32>
        %and3A_222 = arith.andi %get3A_216, %and3A_221 : vector<16xi32>
        %min3A_223 = arith.constant 50 : i32
        %min3A_224 = vector.broadcast %min3A_223 : i32 to vector<16xi32>
        %min3A_225 = arith.minsi %and3A_222, %min3A_224 : vector<16xi32>
        %gather3A = tpu.vector_load_idx %arg5[%min3A_220, %min3A_225] : memref<16x128xf32, #tpu.memory_space<vmem>>[vector<16xi32>, vector<16xi32>], vector<16xf32>,
        %swap3A = arith.index_cast %add3A_204 : i32 to index
        %swap3A_226 = arith.index_cast %add3A_214 : i32 to index
        %swap3A_227 = tpu.vector_load %arg9[%swap3A, %swap3A_226] {strides = array<i32>} : memref<64x128xf32, #tpu.memory_space<vmem>>, vector<16xf32>,
        tpu.vector_store %arg9[%swap3A, %swap3A_226], %gather3A {strides = array<i32>} : memref<64x128xf32, #tpu.memory_space<vmem>>, vector<16xf32>,
      }
      %scan3A_209 = arith.constant 4 : i32
    }
    %scan3A_141 = arith.constant 64 : i32
    %add3A_142 = arith.constant 320 : i32
    %add3A_143 = arith.addi %mul3A_2, %add3A_142 : i32
    %dma_start3A_144 = arith.constant 0 : i32
    %dma_start3A_145 = tpu.memref_slice %arg4[%add3A_143, %dma_start3A_144] : memref<16384x128xf32, #tpu.memory_space<hbm>> -> memref<64x128xf32, #tpu.memory_space<hbm>>
    %dma_start3A_146 = arith.constant 0 : i32
    %dma_start3A_147 = tpu.memref_slice %arg4[%add3A_143, %dma_start3A_146] : memref<16384x128xf32, #tpu.memory_space<hbm>> -> memref<64x128xf32, #tpu.memory_space<hbm>>
    tpu.enqueue_dma source(%arg9 : memref<64x128xf32, #tpu.memory_space<vmem>>) target(%dma_start3A_147 : memref<64x128xf32, #tpu.memory_space<hbm>>) target_semaphore(%arg14 : memref<!tpu.dma_semaphore, #tpu.memory_space<semaphore_mem>>)
    %dma_wait3A_148 = arith.constant 0 : i32
    %dma_wait3A_149 = tpu.memref_slice %arg3[%add3A_128, %dma_wait3A_148] : memref<16384x128xi32, #tpu.memory_space<hbm>> -> memref<64x128xi32, #tpu.memory_space<hbm>>
    %dma_wait3A_150 = arith.constant 0 : i32
    %dma_wait3A_151 = tpu.memref_slice %arg3[%add3A_128, %dma_wait3A_150] : memref<16384x128xi32, #tpu.memory_space<hbm>> -> memref<64x128xi32, #tpu.memory_space<hbm>>
    tpu.wait_dma2 semaphore(%arg11 : memref<!tpu.dma_semaphore, #tpu.memory_space<semaphore_mem>>) src(%dma_wait3A_151 : memref<64x128xi32, #tpu.memory_space<hbm>>) dst(%arg6 : memref<64x128xi32, #tpu.memory_space<vmem>>)
    %add3A_152 = arith.constant 448 : i32
    %add3A_153 = arith.addi %mul3A_2, %add3A_152 : i32
    %dma_start3A_154 = arith.constant 0 : i32
    %dma_start3A_155 = tpu.memref_slice %arg3[%add3A_153, %dma_start3A_154] : memref<16384x128xi32, #tpu.memory_space<hbm>> -> memref<64x128xi32, #tpu.memory_space<hbm>>
    %dma_start3A_156 = arith.constant 0 : i32
    %dma_start3A_157 = tpu.memref_slice %arg3[%add3A_153, %dma_start3A_156] : memref<16384x128xi32, #tpu.memory_space<hbm>> -> memref<64x128xi32, #tpu.memory_space<hbm>>
    tpu.enqueue_dma source(%dma_start3A_157 : memref<64x128xi32, #tpu.memory_space<hbm>>) target(%arg7 : memref<64x128xi32, #tpu.memory_space<vmem>>) target_semaphore(%arg12 : memref<!tpu.dma_semaphore, #tpu.memory_space<semaphore_mem>>)
    %dma_wait3A_158 = arith.constant 0 : i32
    %dma_wait3A_159 = tpu.memref_slice %arg4[%add3A_118, %dma_wait3A_158] : memref<16384x128xf32, #tpu.memory_space<hbm>> -> memref<64x128xf32, #tpu.memory_space<hbm>>
    %dma_wait3A_160 = arith.constant 0 : i32
    %dma_wait3A_161 = tpu.memref_slice %arg4[%add3A_118, %dma_wait3A_160] : memref<16384x128xf32, #tpu.memory_space<hbm>> -> memref<64x128xf32, #tpu.memory_space<hbm>>
    tpu.wait_dma2 semaphore(%arg13 : memref<!tpu.dma_semaphore, #tpu.memory_space<semaphore_mem>>) src(%arg8 : memref<64x128xf32, #tpu.memory_space<vmem>>) dst(%dma_wait3A_161 : memref<64x128xf32, #tpu.memory_space<hbm>>)
    %scan3A_162 = arith.constant 0 : i32
    %scan3A_163 = arith.constant 64 : i32
    %scan3A_164 = arith.addi %scan3A_162, %scan3A_163 : i32
    %scan3A_165 = arith.constant 1 : i32
    scf.for %scan3A_200 = %scan3A_162 to %scan3A_164 step %scan3A_165  : i32 {
      %mul3A_201 = arith.constant 1 : i32
      %mul3A_202 = arith.muli %scan3A_200, %mul3A_201 : i32
      %add3A_203 = arith.constant 0 : i32
      %add3A_204 = arith.addi %add3A_203, %mul3A_202 : i32
      %scan3A_205 = arith.constant 0 : i32
      %scan3A_206 = arith.constant 4 : i32
      %scan3A_207 = arith.addi %scan3A_205, %scan3A_206 : i32
      %scan3A_208 = arith.constant 1 : i32
      scf.for %scan3A_210 = %scan3A_205 to %scan3A_207 step %scan3A_208  : i32 {
        %mul3A_211 = arith.constant 16 : i32
        %mul3A_212 = arith.muli %scan3A_210, %mul3A_211 : i32
        %add3A_213 = arith.constant 0 : i32
        %add3A_214 = arith.addi %add3A_213, %mul3A_212 : i32
        %get3A = arith.index_cast %add3A_204 : i32 to index
        %get3A_215 = arith.index_cast %add3A_214 : i32 to index
        %get3A_216 = tpu.vector_load %arg6[%get3A, %get3A_215] {strides = array<i32>} : memref<64x128xi32, #tpu.memory_space<vmem>>, vector<16xi32>,
        %shift_right_arithmetic3A = arith.constant 7 : i32
        %shift_right_arithmetic3A_217 = vector.broadcast %shift_right_arithmetic3A : i32 to vector<16xi32>
        %shift_right_arithmetic3A_218 = arith.shrsi %get3A_216, %shift_right_arithmetic3A_217 : vector<16xi32>
        %min3A = arith.constant 10 : i32
        %min3A_219 = vector.broadcast %min3A : i32 to vector<16xi32>
        %min3A_220 = arith.minsi %shift_right_arithmetic3A_218, %min3A_219 : vector<16xi32>
        %and3A = arith.constant 127 : i32
        %and3A_221 = vector.broadcast %and3A : i32 to vector<16xi32>
        %and3A_222 = arith.andi %get3A_216, %and3A_221 : vector<16xi32>
        %min3A_223 = arith.constant 50 : i32
        %min3A_224 = vector.broadcast %min3A_223 : i32 to vector<16xi32>
        %min3A_225 = arith.minsi %and3A_222, %min3A_224 : vector<16xi32>
        %gather3A = tpu.vector_load_idx %arg5[%min3A_220, %min3A_225] : memref<16x128xf32, #tpu.memory_space<vmem>>[vector<16xi32>, vector<16xi32>], vector<16xf32>,
        %swap3A = arith.index_cast %add3A_204 : i32 to index
        %swap3A_226 = arith.index_cast %add3A_214 : i32 to index
        %swap3A_227 = tpu.vector_load %arg8[%swap3A, %swap3A_226] {strides = array<i32>} : memref<64x128xf32, #tpu.memory_space<vmem>>, vector<16xf32>,
        tpu.vector_store %arg8[%swap3A, %swap3A_226], %gather3A {strides = array<i32>} : memref<64x128xf32, #tpu.memory_space<vmem>>, vector<16xf32>,
      }
      %scan3A_209 = arith.constant 4 : i32
    }
    %scan3A_166 = arith.constant 64 : i32
    %add3A_167 = arith.constant 384 : i32
    %add3A_168 = arith.addi %mul3A_2, %add3A_167 : i32
    %dma_start3A_169 = arith.constant 0 : i32
    %dma_start3A_170 = tpu.memref_slice %arg4[%add3A_168, %dma_start3A_169] : memref<16384x128xf32, #tpu.memory_space<hbm>> -> memref<64x128xf32, #tpu.memory_space<hbm>>
    %dma_start3A_171 = arith.constant 0 : i32
    %dma_start3A_172 = tpu.memref_slice %arg4[%add3A_168, %dma_start3A_171] : memref<16384x128xf32, #tpu.memory_space<hbm>> -> memref<64x128xf32, #tpu.memory_space<hbm>>
    tpu.enqueue_dma source(%arg8 : memref<64x128xf32, #tpu.memory_space<vmem>>) target(%dma_start3A_172 : memref<64x128xf32, #tpu.memory_space<hbm>>) target_semaphore(%arg13 : memref<!tpu.dma_semaphore, #tpu.memory_space<semaphore_mem>>)
    %dma_wait3A_173 = arith.constant 0 : i32
    %dma_wait3A_174 = tpu.memref_slice %arg3[%add3A_153, %dma_wait3A_173] : memref<16384x128xi32, #tpu.memory_space<hbm>> -> memref<64x128xi32, #tpu.memory_space<hbm>>
    %dma_wait3A_175 = arith.constant 0 : i32
    %dma_wait3A_176 = tpu.memref_slice %arg3[%add3A_153, %dma_wait3A_175] : memref<16384x128xi32, #tpu.memory_space<hbm>> -> memref<64x128xi32, #tpu.memory_space<hbm>>
    tpu.wait_dma2 semaphore(%arg12 : memref<!tpu.dma_semaphore, #tpu.memory_space<semaphore_mem>>) src(%dma_wait3A_176 : memref<64x128xi32, #tpu.memory_space<hbm>>) dst(%arg7 : memref<64x128xi32, #tpu.memory_space<vmem>>)
    %dma_wait3A_177 = arith.constant 0 : i32
    %dma_wait3A_178 = tpu.memref_slice %arg4[%add3A_143, %dma_wait3A_177] : memref<16384x128xf32, #tpu.memory_space<hbm>> -> memref<64x128xf32, #tpu.memory_space<hbm>>
    %dma_wait3A_179 = arith.constant 0 : i32
    %dma_wait3A_180 = tpu.memref_slice %arg4[%add3A_143, %dma_wait3A_179] : memref<16384x128xf32, #tpu.memory_space<hbm>> -> memref<64x128xf32, #tpu.memory_space<hbm>>
    tpu.wait_dma2 semaphore(%arg14 : memref<!tpu.dma_semaphore, #tpu.memory_space<semaphore_mem>>) src(%arg9 : memref<64x128xf32, #tpu.memory_space<vmem>>) dst(%dma_wait3A_180 : memref<64x128xf32, #tpu.memory_space<hbm>>)
    %scan3A_181 = arith.constant 0 : i32
    %scan3A_182 = arith.constant 64 : i32
    %scan3A_183 = arith.addi %scan3A_181, %scan3A_182 : i32
    %scan3A_184 = arith.constant 1 : i32
    scf.for %scan3A_200 = %scan3A_181 to %scan3A_183 step %scan3A_184  : i32 {
      %mul3A_201 = arith.constant 1 : i32
      %mul3A_202 = arith.muli %scan3A_200, %mul3A_201 : i32
      %add3A_203 = arith.constant 0 : i32
      %add3A_204 = arith.addi %add3A_203, %mul3A_202 : i32
      %scan3A_205 = arith.constant 0 : i32
      %scan3A_206 = arith.constant 4 : i32
      %scan3A_207 = arith.addi %scan3A_205, %scan3A_206 : i32
      %scan3A_208 = arith.constant 1 : i32
      scf.for %scan3A_210 = %scan3A_205 to %scan3A_207 step %scan3A_208  : i32 {
        %mul3A_211 = arith.constant 16 : i32
        %mul3A_212 = arith.muli %scan3A_210, %mul3A_211 : i32
        %add3A_213 = arith.constant 0 : i32
        %add3A_214 = arith.addi %add3A_213, %mul3A_212 : i32
        %get3A = arith.index_cast %add3A_204 : i32 to index
        %get3A_215 = arith.index_cast %add3A_214 : i32 to index
        %get3A_216 = tpu.vector_load %arg7[%get3A, %get3A_215] {strides = array<i32>} : memref<64x128xi32, #tpu.memory_space<vmem>>, vector<16xi32>,
        %shift_right_arithmetic3A = arith.constant 7 : i32
        %shift_right_arithmetic3A_217 = vector.broadcast %shift_right_arithmetic3A : i32 to vector<16xi32>
        %shift_right_arithmetic3A_218 = arith.shrsi %get3A_216, %shift_right_arithmetic3A_217 : vector<16xi32>
        %min3A = arith.constant 10 : i32
        %min3A_219 = vector.broadcast %min3A : i32 to vector<16xi32>
        %min3A_220 = arith.minsi %shift_right_arithmetic3A_218, %min3A_219 : vector<16xi32>
        %and3A = arith.constant 127 : i32
        %and3A_221 = vector.broadcast %and3A : i32 to vector<16xi32>
        %and3A_222 = arith.andi %get3A_216, %and3A_221 : vector<16xi32>
        %min3A_223 = arith.constant 50 : i32
        %min3A_224 = vector.broadcast %min3A_223 : i32 to vector<16xi32>
        %min3A_225 = arith.minsi %and3A_222, %min3A_224 : vector<16xi32>
        %gather3A = tpu.vector_load_idx %arg5[%min3A_220, %min3A_225] : memref<16x128xf32, #tpu.memory_space<vmem>>[vector<16xi32>, vector<16xi32>], vector<16xf32>,
        %swap3A = arith.index_cast %add3A_204 : i32 to index
        %swap3A_226 = arith.index_cast %add3A_214 : i32 to index
        %swap3A_227 = tpu.vector_load %arg9[%swap3A, %swap3A_226] {strides = array<i32>} : memref<64x128xf32, #tpu.memory_space<vmem>>, vector<16xf32>,
        tpu.vector_store %arg9[%swap3A, %swap3A_226], %gather3A {strides = array<i32>} : memref<64x128xf32, #tpu.memory_space<vmem>>, vector<16xf32>,
      }
      %scan3A_209 = arith.constant 4 : i32
    }
    %scan3A_185 = arith.constant 64 : i32
    %add3A_186 = arith.constant 448 : i32
    %add3A_187 = arith.addi %mul3A_2, %add3A_186 : i32
    %dma_start3A_188 = arith.constant 0 : i32
    %dma_start3A_189 = tpu.memref_slice %arg4[%add3A_187, %dma_start3A_188] : memref<16384x128xf32, #tpu.memory_space<hbm>> -> memref<64x128xf32, #tpu.memory_space<hbm>>
    %dma_start3A_190 = arith.constant 0 : i32
    %dma_start3A_191 = tpu.memref_slice %arg4[%add3A_187, %dma_start3A_190] : memref<16384x128xf32, #tpu.memory_space<hbm>> -> memref<64x128xf32, #tpu.memory_space<hbm>>
    tpu.enqueue_dma source(%arg9 : memref<64x128xf32, #tpu.memory_space<vmem>>) target(%dma_start3A_191 : memref<64x128xf32, #tpu.memory_space<hbm>>) target_semaphore(%arg14 : memref<!tpu.dma_semaphore, #tpu.memory_space<semaphore_mem>>)
    %dma_wait3A_192 = arith.constant 0 : i32
    %dma_wait3A_193 = tpu.memref_slice %arg4[%add3A_168, %dma_wait3A_192] : memref<16384x128xf32, #tpu.memory_space<hbm>> -> memref<64x128xf32, #tpu.memory_space<hbm>>
    %dma_wait3A_194 = arith.constant 0 : i32
    %dma_wait3A_195 = tpu.memref_slice %arg4[%add3A_168, %dma_wait3A_194] : memref<16384x128xf32, #tpu.memory_space<hbm>> -> memref<64x128xf32, #tpu.memory_space<hbm>>
    tpu.wait_dma2 semaphore(%arg13 : memref<!tpu.dma_semaphore, #tpu.memory_space<semaphore_mem>>) src(%arg8 : memref<64x128xf32, #tpu.memory_space<vmem>>) dst(%dma_wait3A_195 : memref<64x128xf32, #tpu.memory_space<hbm>>)
    %dma_wait3A_196 = arith.constant 0 : i32
    %dma_wait3A_197 = tpu.memref_slice %arg4[%add3A_187, %dma_wait3A_196] : memref<16384x128xf32, #tpu.memory_space<hbm>> -> memref<64x128xf32, #tpu.memory_space<hbm>>
    %dma_wait3A_198 = arith.constant 0 : i32
    %dma_wait3A_199 = tpu.memref_slice %arg4[%add3A_187, %dma_wait3A_198] : memref<16384x128xf32, #tpu.memory_space<hbm>> -> memref<64x128xf32, #tpu.memory_space<hbm>>
    tpu.wait_dma2 semaphore(%arg14 : memref<!tpu.dma_semaphore, #tpu.memory_space<semaphore_mem>>) src(%arg9 : memref<64x128xf32, #tpu.memory_space<vmem>>) dst(%dma_wait3A_199 : memref<64x128xf32, #tpu.memory_space<hbm>>)
    return
  }
}

module attributes {stable_mosaic.version = 14 : i64} {
  func.func @_table_body(%arg0: memref<11x64xf32, #tpu.memory_space<vmem>>, %arg1: memref<51x64xf32, #tpu.memory_space<vmem>>, %arg2: memref<64x64xf32, #tpu.memory_space<vmem>>, %arg3: memref<64x64xf32, #tpu.memory_space<vmem>>, %arg4: memref<1x64xf32, #tpu.memory_space<vmem>>, %arg5: memref<1x64xf32, #tpu.memory_space<vmem>>, %arg6: memref<1x1xf32, #tpu.memory_space<vmem>>, %arg7: memref<16x128xf32, #tpu.memory_space<vmem>>) attributes {dimension_semantics = [], scalar_prefetch = 0 : i64, scratch_operands = 0 : i64, tpu.core_type = #tpu.core_type<tc>} {
    %get3A = arith.constant 0 : index
    %get3A_0 = arith.constant 0 : index
    %get3A_1 = vector.load %arg0[%get3A, %get3A_0] : memref<11x64xf32, #tpu.memory_space<vmem>>, vector<11x64xf32>
    %get3A_2 = arith.constant 0 : index
    %get3A_3 = arith.constant 0 : index
    %get3A_4 = vector.load %arg2[%get3A_2, %get3A_3] : memref<64x64xf32, #tpu.memory_space<vmem>>, vector<64x64xf32>
    %dot_general3A = arith.constant dense<0.000000e+00> : vector<11x64xf32>
    %dot_general3A_5 = tpu.matmul %get3A_1, %get3A_4, %dot_general3A {dimension_numbers = #tpu.dot_dimension_numbers<[1], [1], [0], [0], [0, 0, 1, 0], [], []>, precision = #tpu.contract_precision<fp32>, transpose_lhs_hint = false} : vector<11x64xf32>, vector<64x64xf32>, vector<11x64xf32> -> vector<11x64xf32>
    %get3A_6 = arith.constant 0 : index
    %get3A_7 = arith.constant 0 : index
    %get3A_8 = vector.load %arg1[%get3A_6, %get3A_7] : memref<51x64xf32, #tpu.memory_space<vmem>>, vector<51x64xf32>
    %get3A_9 = arith.constant 0 : index
    %get3A_10 = arith.constant 0 : index
    %get3A_11 = vector.load %arg3[%get3A_9, %get3A_10] : memref<64x64xf32, #tpu.memory_space<vmem>>, vector<64x64xf32>
    %dot_general3A_12 = arith.constant dense<0.000000e+00> : vector<51x64xf32>
    %dot_general3A_13 = tpu.matmul %get3A_8, %get3A_11, %dot_general3A_12 {dimension_numbers = #tpu.dot_dimension_numbers<[1], [1], [0], [0], [0, 0, 1, 0], [], []>, precision = #tpu.contract_precision<fp32>, transpose_lhs_hint = false} : vector<51x64xf32>, vector<64x64xf32>, vector<51x64xf32> -> vector<51x64xf32>
    %broadcast_in_dim3A = vector.shape_cast %dot_general3A_5 : vector<11x64xf32> to vector<11x1x64xf32>
    %broadcast_in_dim3A_14 = vector.shape_cast %dot_general3A_13 : vector<51x64xf32> to vector<1x51x64xf32>
    %add3A = vector.broadcast %broadcast_in_dim3A : vector<11x1x64xf32> to vector<11x51x64xf32>
    %add3A_15 = vector.broadcast %broadcast_in_dim3A_14 : vector<1x51x64xf32> to vector<11x51x64xf32>
    %add3A_16 = arith.addf %add3A, %add3A_15 : vector<11x51x64xf32>
    %get3A_17 = arith.constant 0 : index
    %get3A_18 = arith.constant 0 : index
    %get3A_19 = vector.load %arg4[%get3A_17, %get3A_18] : memref<1x64xf32, #tpu.memory_space<vmem>>, vector<1x64xf32>
    %broadcast_in_dim3A_20 = vector.shape_cast %get3A_19 : vector<1x64xf32> to vector<1x1x64xf32>
    %add3A_21 = vector.broadcast %broadcast_in_dim3A_20 : vector<1x1x64xf32> to vector<11x51x64xf32>
    %add3A_22 = arith.addf %add3A_16, %add3A_21 : vector<11x51x64xf32>
    %tanh3A = math.tanh %add3A_22 : vector<11x51x64xf32>
    %get3A_23 = arith.constant 0 : index
    %get3A_24 = arith.constant 0 : index
    %get3A_25 = vector.load %arg5[%get3A_23, %get3A_24] : memref<1x64xf32, #tpu.memory_space<vmem>>, vector<1x64xf32>
    %broadcast_in_dim3A_26 = vector.shape_cast %get3A_25 : vector<1x64xf32> to vector<1x1x64xf32>
    %mul3A = vector.broadcast %broadcast_in_dim3A_26 : vector<1x1x64xf32> to vector<11x51x64xf32>
    %mul3A_27 = arith.mulf %tanh3A, %mul3A : vector<11x51x64xf32>
    %reduce_sum3A = arith.constant dense<0.000000e+00> : vector<11x51xf32>
    %reduce_sum3A_28 = vector.multi_reduction <add>, %mul3A_27, %reduce_sum3A [2] : vector<11x51x64xf32> to vector<11x51xf32>
    %get3A_29 = arith.constant 0 : index
    %get3A_30 = arith.constant 0 : index
    %get3A_31 = vector.load %arg6[%get3A_29, %get3A_30] : memref<1x1xf32, #tpu.memory_space<vmem>>, vector<1x1xf32>
    %get3A_32 = vector.extract %get3A_31[0, 0] : f32 from vector<1x1xf32>
    %add3A_33 = vector.broadcast %get3A_32 : f32 to vector<11x51xf32>
    %add3A_34 = arith.addf %reduce_sum3A_28, %add3A_33 : vector<11x51xf32>
    %tanh3A_35 = math.tanh %add3A_34 : vector<11x51xf32>
    %iota3A = tpu.iota {dimensions = array<i32: 0>} : vector<11x51xi32>
    %iota3A_36 = tpu.iota {dimensions = array<i32: 1>} : vector<11x51xi32>
    %ne3A = arith.constant 0 : i32
    %ne3A_37 = vector.broadcast %ne3A : i32 to vector<11x51xi32>
    %ne3A_38 = arith.cmpi ne, %iota3A, %ne3A_37 : vector<11x51xi32>
    %ne3A_39 = arith.constant 0 : i32
    %ne3A_40 = vector.broadcast %ne3A_39 : i32 to vector<11x51xi32>
    %ne3A_41 = arith.cmpi ne, %iota3A_36, %ne3A_40 : vector<11x51xi32>
    %or3A = arith.ori %ne3A_38, %ne3A_41 : vector<11x51xi1>
    %jit3A = arith.constant 0.000000e+00 : f32
    %broadcast_in_dim3A_42 = vector.broadcast %jit3A : f32 to vector<11x51xf32>
    %select_n3A = arith.select %or3A, %tanh3A_35, %broadcast_in_dim3A_42 : vector<11x51xi1>, vector<11x51xf32>
    %jit3A_43 = arith.constant 0 : i32
    %convert_element_type3A = arith.sitofp %jit3A_43 : i32 to f32
    %pad3A = vector.broadcast %convert_element_type3A : f32 to vector<5x51xf32>
    %pad3A_44 = tpu.concatenate %select_n3A, %pad3A in 0 : vector<11x51xf32>, vector<5x51xf32> -> vector<16x51xf32>
    %pad3A_45 = vector.broadcast %convert_element_type3A : f32 to vector<16x77xf32>
    %pad3A_46 = tpu.concatenate %pad3A_44, %pad3A_45 in 1 : vector<16x51xf32>, vector<16x77xf32> -> vector<16x128xf32>
    %swap3A = arith.constant 0 : index
    %swap3A_47 = arith.constant 0 : index
    %swap3A_48 = vector.load %arg7[%swap3A, %swap3A_47] : memref<16x128xf32, #tpu.memory_space<vmem>>, vector<16x128xf32>
    tpu.vector_store %arg7[%swap3A, %swap3A_47], %pad3A_46 {strides = array<i32>} : memref<16x128xf32, #tpu.memory_space<vmem>>, vector<16x128xf32>,
    return
  }
}

</mosaic_0001>

<sc_bundles>
// kernel: kernel.4.cloned.1.call-start
scs
__scs_entry_jumppad:
0x0: {  	(pc) =	sbr.rel $0x88, $3  }
0x1: {  	(tag) =	ssettag $0x0;
	lr =	simm.s32 $0x1  }
0x2: {  	[smem:$0x3F99] =	sst lr;
	_ =	strace $0xD0000000  }
0x3: {  	_ = 	snop  }
0x4: {  	_ = 	snop  }
0x5: {  	_ = 	snop  }
0x6: {  	_ = 	snop  }
0x7: {  	_ = 	snop  }
__scs_overlays_trampoline_lowered:
0x8: {  	[smem:$0x3FA8] =	sst s0  }
0x9: {  	[smem:$0x3FA9] =	sst s1  }
0xa: {  	[smem:$0x3FAA] =	sst s2  }
0xb: {  	[smem:$0x3FAB] =	sst s3  }
0xc: {  	[smem:$0x3FAC] =	sst s4  }
0xd: {  	[smem:$0x3FAD] =	sst s5  }
0xe: {  	[smem:$0x3FAE] =	sst s6  }
0xf: {  	[smem:$0x3FAF] =	sst s7  }
0x10: {  	[smem:$0x3FB0] =	sst s8  }
0x11: {  	[smem:$0x3FB1] =	sst s9;
	s0 =	simm.s32 @!p0 $0x0  }
0x12: {  	s1 =	sld [smem:$0x3F97];
	s0 =	simm.s32 @p0 $0x1  }
0x13: {  	[smem:$0x3FB2] =	sst s0;
	s0 =	simm.s32 @!p1 $0x0  }
0x14: {  	s2 =	sld [smem:$0x3F96];
	s0 =	simm.s32 @p1 $0x1  }
0x15: {  	[smem:$0x3FB3] =	sst s0;
	s0 =	simm.s32 @!p2 $0x0  }
0x16: {  	s3 =	sld [smem:$0x3FDB];
	s0 =	simm.s32 @p2 $0x1  }
0x17: {  	s4 =	simm.s32 $0x1BF5;
	[smem:$0x3FB5] =	sst s0  }
0x18: {  	s0 =	sld [smem:$0x3F98];
	_ =	swait.ge [sflag:s4], $0x0  }
0x19: {  	s7 =	sld [smem:$0x3F99]  }
0x1a: {  	s8 =	sadd.s32 $0xFFFFE003, lr  }
0x1b: {  	s9 =	sadd.s32 $0xFFFFFEF7, lr;
	s5 =	simm.s32 $0xFFFFFFFF;
	p2 =	slt.u32 s8, $0xFFFFF086  }
0x1c: {  	p1 =	slt.u32 s9, $0xF7A;
	s5 =	simm.s32 @!p2 $0x0  }
0x1d: {  	s5 =	simm.s32 @p1 $0x1;
	p0 =	seq.s32 s7, s2  }
0x1e: {  	s7 =	smul.u32 @!p0 $0xF7A, s2;
	p2 =	seq.s32 @!p0 s5, $0x0  }
0x1f: {  	s9 =	smul.u32 $0xF7A, s1;
	s8 =	simm.s32 @!p0 $0x1BF5;
	p2 =	por !p2, p0  }
0x20: {  	[sflag:s8] =	ssyncset.s32 @!p0 $0xFFFFF086;
	s6 =	sadd.s32 @!p0 s3, s7;
	s7 =	simm.s32 @!p0 $0x108  }
0x21: {  	s3 =	sadd.s32 s3, s9;
	s6 =	sadd.s32 @!p0 $0x88, s6;
	s7 =	simm.s32 @p2 $0x1082  }
0x22: {  	[simem:s7], [sflag:s8] =	dma.local @!p0 [hbm:s6], $0xF7A  }
0x23: {  	s9 =	sor.u32 $0xD0000000, s2;
	s6 =	simm.s32 $0x108;
	_ =	swait.ge @!p0 [sflag:s8], $0x0  }
0x24: {  	s3 =	sadd.s32 $0x88, s3;
	s6 =	simm.s32 @!p1 $0x1082;
	[sflag:s4] =	ssyncset.s32 $0xFFFFF086  }
0x25: {  	[simem:s6], [sflag:s4] =	dma.local [hbm:s3], $0xF7A  }
0x26: {  	[smem:$0x3F99] =	sst s1;
	(tag) =	ssettag s2;
	_ =	strace s9  }
0x27: {  	s1 =	sld [smem:$0x3FA9]  }
0x28: {  	s2 =	sld [smem:$0x3FAA]  }
0x29: {  	s4 =	sld [smem:$0x3FAC]  }
0x2a: {  	p0 =	seq.s32 s5, $0x0;
	s5 =	sld [smem:$0x3FAD]  }
0x2b: {  	s6 =	sld [smem:$0x3FAE]  }
0x2c: {  	s7 =	sld [smem:$0x3FAF]  }
0x2d: {  	s3 =	simm.s32 $0x108;
	s8 =	sld [smem:$0x3FB0]  }
0x2e: {  	s3 =	simm.s32 @!p0 $0x1082;
	s9 =	sld [smem:$0x3FB1]  }
0x2f: {  	lr =	sadd.s32 s0, s3;
	s0 =	sld [smem:$0x3FA8]  }
0x30: {  	s3 =	sld [smem:$0x3FAB]  }
0x31: {  	[smem:$0x3FB4] =	sst s10  }
0x32: {  	s10 =	sld [smem:$0x3FB2];
	_ =	sdelay $0x3  }
0x33: {  	p0 =	seq.s32 s10, $0x1;
	s10 =	sld [smem:$0x3FB4];
	_ =	sdelay $0x3  }
0x34: {  	[smem:$0x3FB4] =	sst s10  }
0x35: {  	s10 =	sld [smem:$0x3FB3];
	_ =	sdelay $0x3  }
0x36: {  	p1 =	seq.s32 s10, $0x1;
	s10 =	sld [smem:$0x3FB4];
	_ =	sdelay $0x3  }
0x37: {  	[smem:$0x3FB4] =	sst s10  }
0x38: {  	s10 =	sld [smem:$0x3FB5]  }
0x39: {  	_ = 	snop;
	(pc) =	sbr.ind lr, $3  }
0x3a: {  	_ = 	snop  }
0x3b: {  	_ = 	snop  }
0x3c: {  	p2 =	seq.s32 s10, $0x1;
	s10 =	sld [smem:$0x3FB4]  }
0x3d: {  	_ =	shalt  }
0x3e: {  	_ =	shalt  }
0x3f: {  	_ =	shalt  }
0x40: {  	_ =	shalt  }
0x41: {  	_ =	shalt  }
0x42: {  	_ =	shalt  }
0x43: {  	_ =	shalt  }
0x44: {  	_ =	shalt  }
0x45: {  	_ =	shalt  }
0x46: {  	_ =	shalt  }
0x47: {  	_ =	shalt  }
0x48: {  	_ =	shalt  }
0x49: {  	_ =	shalt  }
0x4a: {  	_ =	shalt  }
0x4b: {  	_ =	shalt  }
0x4c: {  	_ =	shalt  }
0x4d: {  	_ =	shalt  }
0x4e: {  	_ =	shalt  }
0x4f: {  	_ =	shalt  }
0x50: {  	_ =	shalt  }
0x51: {  	_ =	shalt  }
0x52: {  	_ =	shalt  }
0x53: {  	_ =	shalt  }
0x54: {  	_ =	shalt  }
0x55: {  	_ =	shalt  }
0x56: {  	_ =	shalt  }
0x57: {  	_ =	shalt  }
0x58: {  	_ =	shalt  }
0x59: {  	_ =	shalt  }
0x5a: {  	_ =	shalt  }
0x5b: {  	_ =	shalt  }
0x5c: {  	_ =	shalt  }
0x5d: {  	_ =	shalt  }
0x5e: {  	_ =	shalt  }
0x5f: {  	_ =	shalt  }
0x60: {  	_ =	shalt  }
0x61: {  	_ =	shalt  }
0x62: {  	_ =	shalt  }
0x63: {  	_ =	shalt  }
0x64: {  	_ =	shalt  }
0x65: {  	_ =	shalt  }
0x66: {  	_ =	shalt  }
0x67: {  	_ =	shalt  }
0x68: {  	_ =	shalt  }
0x69: {  	_ =	shalt  }
0x6a: {  	_ =	shalt  }
0x6b: {  	_ =	shalt  }
0x6c: {  	_ =	shalt  }
0x6d: {  	_ =	shalt  }
0x6e: {  	_ =	shalt  }
0x6f: {  	_ =	shalt  }
0x70: {  	_ =	shalt  }
0x71: {  	_ =	shalt  }
0x72: {  	_ =	shalt  }
0x73: {  	_ =	shalt  }
0x74: {  	_ =	shalt  }
0x75: {  	_ =	shalt  }
0x76: {  	_ =	shalt  }
0x77: {  	_ =	shalt  }
0x78: {  	_ =	shalt  }
0x79: {  	_ =	shalt  }
0x7a: {  	_ =	shalt  }
0x7b: {  	_ =	shalt  }
0x7c: {  	_ =	shalt  }
0x7d: {  	_ =	shalt  }
0x7e: {  	_ =	shalt  }
0x7f: {  	_ =	shalt  }
0x80: {  	_ =	shalt  }
0x81: {  	_ =	shalt  }
0x82: {  	_ =	shalt  }
0x83: {  	_ =	shalt  }
0x84: {  	_ =	shalt  }
0x85: {  	_ =	shalt  }
0x86: {  	_ =	shalt  }
0x87: {  	_ =	shalt  }
.Lfunc_end0:
.L_simem_size_0:
called_computation_lowered:
.L_overlay_start_0:
0x88: {  	s2 =	sld [smem:$0x3FD9]  }
0x89: {  	s3 =	sld [smem:$0x3FFE];
	_ =	sdelay $0x1  }
0x8a: {  	s1 =	srdreg.scid  }
0x8b: {  	s0 =	sand.u32 $0x1, s1  }
0x8c: {  	s17 =	sshll.u32 s0, $0xA;
	s2 =	sadd.s32 s3, s2  }
0x8d: {  	s2 =	sadd.s32 s2, s17  }
0x8e: {  	[smem:$0x3FC0] =	sst s2  }
0x8f: {  	_ = 	snop  }
0x90: {  	s2 =	sld [smem:$0x3FD0];
	(tm) =	ssettm $0x1  }
0x91: {  	s18 =	sld [smem:$0x3FFB];
	_ =	sdelay $0x3  }
0x92: {  	_ =	strace s18  }
0x93: {  	s3 =	sld [smem:$0x3FFC];
	_ =	sdelay $0x3  }
0x94: {  	_ =	strace s3  }
0x95: {  	s3 =	sld [smem:$0x3FFD];
	_ =	sdelay $0x3  }
0x96: {  	_ =	strace s3  }
0x97: {  	_ =	strace $0x8FFFFFFF  }
0x98: {  	s19 =	sld [smem:$0x3FDB];
	_ =	sdelay $0x1  }
0x99: {  	s4 =	simm.s32 $_scs_section_size  }
0x9a: {  	s5 =	simm.s32 $_size__tile_overlayer_lowered;
	s6 =	simm.s32 $_tile_overlayer_lowered  }
0x9b: {  	s22 =	simm.s32 $0x1BFF;
	s21 =	sshll.u32 s6, $0x1;
	s3 =	sadd.s32 s4, s19  }
0x9c: {  	s7 =	simm.s32 $0x0;
	s20 =	sshll.u32 s5, $0x1;
	s5 =	sadd.s32 s21, s3  }
0x9d: {  	[timem:s7], [sflag:s22] =	dma.local [hbm:s5], s20  }
0x9e: {  	_ =	swait.ge [sflag:s22], s20  }
0x9f: {  	s4 =	ssub.s32 $0x0, s20;
	[sflag:s22] =	ssyncset.done $0x0  }
0xa0: {  	[sflag:s22] =	ssyncadd.s32 s4;
	_ =	sdelay $0x1  }
0xa1: {  	s23 =	simm.s32 $0x1B8B  }
0xa2: {  	_ =	swait.ge [sflag:s23], $0x1  }
0xa3: {  	[sflag:s23] =	ssyncset.done $0x0  }
0xa4: {  	s25 =	simm.s32 $0x1B8E;
	s24 =	sld [smem:$0x3FFE];
	[sflag:s23] =	ssyncadd.s32 $0xFFFFFFFF  }
0xa5: {  	s26 =	simm.s32 $execute0_lowered;
	[smem:$0x3FD2] =	sst s25  }
0xa6: {  	s5 =	sshll.u32 s26, $0x1;
	_ =	strace $0x80000046;
	[dreg:$0x1] =	wrdreg $0xFFFFFFFF  }
0xa7: {  	s28 =	simm.s32 $_size_execute0_lowered;
	s3 =	sadd.s32 s3, s5;
	[dreg:$0x0] =	wrdreg $0x0  }
0xa8: {  	s5 =	sshll.u32 s28, $0x1;
	[dreg:$0x2] =	wrdreg s3  }
0xa9: {  	[dreg:$0x3] =	wrdreg s5  }
0xaa: {  	[dreg:$0x4] =	wrdreg $0xC0  }
0xab: {  	_ =	task [dreg:s7], $0x5FFFF  }
0xac: {  	[dreg:$0x1] =	wrdreg $0xFFFFFFFF  }
0xad: {  	[dreg:$0x0] =	wrdreg $0x60  }
0xae: {  	[dreg:$0x2] =	wrdreg s2  }
0xaf: {  	[dreg:$0x3] =	wrdreg s24  }
0xb0: {  	[dreg:$0x4] =	wrdreg $0x9  }
0xb1: {  	_ =	task.clear_ibuf [dreg:s7], $0x5FFFF;
	_ =	strace $0x90000046  }
0xb2: {  	s29 =	simm.s32 $0x9;
	_ =	strace $0x80000048  }
0xb3: {  	_ =	swait.ge [sflag:s29], $0x1  }
0xb4: {  	[sflag:s29] =	ssyncadd.s32 $0xFFFFFFFF  }
0xb5: {  	_ =	strace $0x90000048  }
0xb6: {  	_ =	sfence  }
0xb7: {  	s30 =	sld [smem:$0x0];
	_ =	sdelay $0x2  }
0xb8: {  	s31 =	sshll.u32 s1, $0xD;
	s1 =	sshrl.u32 s1, $0x2  }
0xb9: {  	s3 =	sand.u32 $0x4000, s31;
	s1 =	sadd.s32 s1, s30  }
0xba: {  	s0 =	sor.u32 s3, s0;
	s1 =	sshll.u32 s1, $0x11  }
0xbb: {  	s0 =	sor.u32 s1, s0  }
0xbc: {  	s0 =	sadd.s32 $0x8F2B, s0  }
0xbd: {  	[sflag:s0] =	ssyncadd.remote.s32 $0x1  }
0xbe: {  	_ =	sfence.sel $0xFFFF  }
0xbf: {  	[dreg:$0x0] =	wrdreg $0xFFFFFFFF;
	(pc) =	sbr.abs _section_cstart, $3  }
0xc0: {  	[dreg:$0x1] =	wrdreg $0xFFFFFFFF  }
0xc1: {  	_ =	task.clear_ibuf [dreg:s7], $0x2FFFF;
	_ =	strace $0x9FFFFFFF  }
0xc2: {  	(tm) =	ssettm $0x7FFFFFFF  }
0xc3: {  	_ =	shalt  }
tec
execute0_lowered:
.L_overlay_start_1:
0x0: {  	(tag) =	ssettag $0x1  }
0x1: {  	s0 =	rddreg [dreg:$0x1]  }
0x2: {  	s3 =	simm.s32 $0x0;
	s1 =	srdreg.scid;
	s4 =	stileid.u32  }
0x3: {  	s21 =	simm.s32 $0x1;
	s22 =	simm.s32 $0x800;
	s23 =	simm.s32 $0x2  }
0x4: {  	s24 =	simm.s32 $0x2800;
	s25 =	simm.s32 $0x4800;
	s26 =	simm.s32 $0x3  }
0x5: {  	s28 =	simm.s32 $0x6800;
	s29 =	simm.s32 $0x4;
	s30 =	simm.s32 $0x5  }
0x6: {  	s31 =	simm.s32 $0x0;
	[smem:$0x7FF] =	sst s3;
	s1 =	sand.u32 $0x1, s1  }
0x7: {  	s4 =	sshll.u32 s4, $0xE;
	s17 =	sadd.s32 $0x1200, s0;
	s2 =	ssub.s32 $0x2, s1  }
0x8: {  	s0 =	sadd.s32 $0x41200, s0;
	s1 =	sshll.u32 s1, $0xD;
	s5 =	sshrl.u32 s2, $0x1  }
0x9: {  	_ =	strace $0x80000047;
	s1 =	sor.u32 s1, s4;
	s2 =	ssub.s32 s2, s5  }
0xa: {  	s8 =	sor.u32 $0x400, s1;
	s4 =	sadd.s32 s17, s1;
	s10 =	sor.u32 $0x800, s1  }
0xb: {  	s6 =	sadd.s32 s0, s1;
	s12 =	sor.u32 $0xC00, s1;
	s14 =	sor.u32 $0x1000, s1  }
0xc: {  	s16 =	sor.u32 $0x1400, s1;
	s18 =	sor.u32 $0x1800, s1;
	s1 =	sor.u32 $0x1C00, s1  }
0xd: {  	s5 =	sadd.s32 s17, s8;
	s7 =	sadd.s32 s17, s10;
	s8 =	sadd.s32 s0, s8  }
0xe: {  	s9 =	sadd.s32 s17, s12;
	s10 =	sadd.s32 s0, s10;
	s11 =	sadd.s32 s17, s14  }
0xf: {  	s12 =	sadd.s32 s0, s12;
	s13 =	sadd.s32 s17, s16;
	s14 =	sadd.s32 s0, s14  }
0x10: {  	s15 =	sadd.s32 s17, s18;
	s16 =	sadd.s32 s0, s16;
	s17 =	sadd.s32 s17, s1  }
0x11: {  	s18 =	sadd.s32 s0, s18;
	s19 =	sadd.s32 s0, s1;
	s20 =	smax.u32 s2, $0x1  }
.LBB2_1:
0x12: {  	s0 =	rddreg [dreg:$0x0]  }
0x13: {  	[tilespmem:s3], [sflag:$0x1] =	stream.linear.gather [hbm4b:s0+s3], $0x800, $0x38;
	[tilespmem:$0x8800] =	vst v63  }
0x14: {  	_ =	swait.ge [sflag:s21], $0x800  }
0x15: {  	[sflag:s21] =	ssyncset.done $0x0  }
0x16: {  	[sflag:s21] =	ssyncadd.s32 $0xFFFFF800  }
0x17: {  	[tilespmem:s22], [sflag:$0x2] =	stream.linear.gather [hbm4b:s4+s3], $0x2000, $0x38;
	[tilespmem:$0x8800] =	vst v63  }
0x18: {  	_ =	swait.ge [sflag:s23], $0x2000  }
0x19: {  	[sflag:s23] =	ssyncset.done $0x0  }
0x1a: {  	s0 =	simm.s32 $0x0;
	[sflag:s23] =	ssyncadd.s32 $0xFFFFE000  }
0x1b: {  	[tilespmem:s24], [sflag:$0x3] =	stream.linear.gather [hbm4b:s5+s3], $0x2000, $0x38;
	[tilespmem:$0x8800] =	vst v63  }
0x1c: {  	v0 =	vld [tilespmem:s0+$0x800];
	_ =	sdelay $0x4  }
0x1d: {  	v1 =	vshra.s32 v0, $0x7  }
0x1e: {  	v2 =	vld [tilespmem:s0+$0x810];
	vm0 =	vlt.s32 v1, $0xA  }
0x1f: {  	v0 =	vand.u32 $0x7F, v0;
	v1 =	vnsel vm0, $0xA, v1  }
0x20: {  	v0 =	vmin.u32 v0, $0x32;
	v1 =	vshll.u32 v1, $0x7  }
0x21: {  	v0 =	vor.u32 v0, v1;
	_ =	sdelay $0x1  }
0x22: {  	v1 =	vshra.s32 v2, $0x7  }
0x23: {  	vm0 =	vlt.s32 v1, $0xA  }
0x24: {  	v2 =	vand.u32 $0x7F, v2;
	v1 =	vnsel vm0, $0xA, v1  }
0x25: {  	v2 =	vmin.u32 v2, $0x32;
	v1 =	vshll.u32 v1, $0x7;
	v0 =	vld.idx.msk [tilespmem:v0+s3+$0x0], $0xffff  }
0x26: {  	v1 =	vor.u32 v2, v1;
	v2 =	vld [tilespmem:s0+$0x820];
	_ =	sdelay $0x3  }
0x27: {  	[tilespmem:s0+$0x4800] =	vst v0  }
0x28: {  	v4 =	vld.idx.msk [tilespmem:v1+s3+$0x0], $0xffff;
	v1 =	vshra.s32 v2, $0x7  }
0x29: {  	vm0 =	vlt.s32 v1, $0xA  }
0x2a: {  	v0 =	vld [tilespmem:s0+$0x830];
	v2 =	vand.u32 $0x7F, v2;
	v1 =	vnsel vm0, $0xA, v1  }
0x2b: {  	v2 =	vmin.u32 v2, $0x32;
	v5 =	vshll.u32 v1, $0x7  }
0x2c: {  	v2 =	vor.u32 v2, v5;
	_ =	sdelay $0x2  }
0x2d: {  	s2 =	simm.s32 $0x80;
	v3 =	vshra.s32 v0, $0x7  }
0x2e: {  	s1 =	simm.s32 $0x400;
	v1 =	vld [tilespmem:s2+$0x800];
	[tilespmem:s0+$0x4810] =	vst v4;
	vm0 =	vlt.s32 v3, $0xA  }
.LBB2_2:
0x2f: {  	p0 =	sne.s32 s1, $0x7E00;
	v2 =	vld.idx.msk [tilespmem:v2+s3+$0x0], $0xffff;
	v3 =	vnsel vm0, $0xA, v3;
	v0 =	vand.u32 $0x7F, v0  }
0x30: {  	v0 =	vmin.u32 v0, $0x32;
	v3 =	vshll.u32 v3, $0x7  }
0x31: {  	v0 =	vor.u32 v0, v3;
	_ =	sdelay $0x2  }
0x32: {  	v3 =	vshra.s32 v1, $0x7  }
0x33: {  	vm0 =	vlt.s32 v3, $0xA;
	v4 =	vld [tilespmem:s2+$0x810];
	[tilespmem:s0+$0x4820] =	vst v2  }
0x34: {  	v1 =	vand.u32 $0x7F, v1;
	v2 =	vnsel vm0, $0xA, v3;
	v0 =	vld.idx.msk [tilespmem:v0+s3+$0x0], $0xffff  }
0x35: {  	v1 =	vmin.u32 v1, $0x32;
	v2 =	vshll.u32 v2, $0x7  }
0x36: {  	v1 =	vor.u32 v1, v2;
	_ =	sdelay $0x2  }
0x37: {  	v2 =	vshra.s32 v4, $0x7  }
0x38: {  	vm0 =	vlt.s32 v2, $0xA;
	v3 =	vld [tilespmem:s2+$0x820];
	[tilespmem:s0+$0x4830] =	vst v0;
	s0 =	smov.u32 s2  }
0x39: {  	v0 =	vld.idx.msk [tilespmem:v1+s3+$0x0], $0xffff;
	v1 =	vnsel vm0, $0xA, v2;
	v2 =	vand.u32 $0x7F, v4  }
0x3a: {  	v2 =	vmin.u32 v2, $0x32;
	v1 =	vshll.u32 v1, $0x7  }
0x3b: {  	v1 =	vor.u32 v2, v1;
	_ =	sdelay $0x2  }
0x3c: {  	v2 =	vshra.s32 v3, $0x7  }
0x3d: {  	vm0 =	vlt.s32 v2, $0xA;
	[tilespmem:s0+$0x4800] =	vst v0;
	v0 =	vld [tilespmem:s0+$0x830]  }
0x3e: {  	v4 =	vld.idx.msk [tilespmem:v1+s3+$0x0], $0xffff;
	v1 =	vnsel vm0, $0xA, v2;
	v2 =	vand.u32 $0x7F, v3  }
0x3f: {  	v2 =	vmin.u32 v2, $0x32;
	v1 =	vshll.u32 v1, $0x7  }
.Ltmp0:
0x40: {  	v2 =	vor.u32 v2, v1;
	(pc) =	sbr.rel @p0 .LBB2_2-.Ltmp0, $3  }
0x41: {  	_ =	sdelay $0x1  }
0x42: {  	s2 =	sshra.s32 s1, $0x2;
	v3 =	vshra.s32 v0, $0x7  }
0x43: {  	s1 =	sadd.s32 $0x200, s1;
	vm0 =	vlt.s32 v3, $0xA;
	v1 =	vld [tilespmem:s2+$0x800];
	[tilespmem:s0+$0x4810] =	vst v4  }
0x44: {  	_ =	sdelay $0x2  }
0x45: {  	v3 =	vnsel vm0, $0xA, v3;
	v0 =	vand.u32 $0x7F, v0  }
0x46: {  	v2 =	vld.idx.msk [tilespmem:v2+s3+$0x0], $0xffff;
	v0 =	vmin.u32 v0, $0x32;
	v3 =	vshll.u32 v3, $0x7  }
0x47: {  	v0 =	vor.u32 v0, v3;
	_ =	sdelay $0x1  }
0x48: {  	v3 =	vshra.s32 v1, $0x7  }
0x49: {  	vm0 =	vlt.s32 v3, $0xA  }
0x4a: {  	v4 =	vld [tilespmem:s2+$0x810];
	v1 =	vand.u32 $0x7F, v1;
	[tilespmem:s0+$0x4820] =	vst v2;
	v2 =	vnsel vm0, $0xA, v3  }
0x4b: {  	v1 =	vmin.u32 v1, $0x32;
	v0 =	vld.idx.msk [tilespmem:v0+s3+$0x0], $0xffff;
	v2 =	vshll.u32 v2, $0x7  }
0x4c: {  	v1 =	vor.u32 v1, v2;
	_ =	sdelay $0x2  }
0x4d: {  	v3 =	vshra.s32 v4, $0x7  }
0x4e: {  	vm0 =	vlt.s32 v3, $0xA;
	v2 =	vld [tilespmem:s2+$0x820];
	[tilespmem:s0+$0x4830] =	vst v0  }
0x4f: {  	v0 =	vld.idx.msk [tilespmem:v1+s3+$0x0], $0xffff;
	v1 =	vnsel vm0, $0xA, v3;
	v3 =	vand.u32 $0x7F, v4  }
0x50: {  	v3 =	vmin.u32 v3, $0x32;
	v1 =	vshll.u32 v1, $0x7  }
0x51: {  	v1 =	vor.u32 v3, v1;
	_ =	sdelay $0x1  }
0x52: {  	v3 =	vshra.s32 v2, $0x7  }
0x53: {  	vm0 =	vlt.s32 v3, $0xA;
	[tilespmem:s2+$0x4800] =	vst v0;
	v0 =	vld [tilespmem:s2+$0x830]  }
0x54: {  	v2 =	vand.u32 $0x7F, v2;
	v3 =	vnsel vm0, $0xA, v3  }
0x55: {  	v2 =	vmin.u32 v2, $0x32;
	v3 =	vshll.u32 v3, $0x7;
	v1 =	vld.idx.msk [tilespmem:v1+s3+$0x0], $0xffff  }
0x56: {  	v2 =	vor.u32 v2, v3;
	_ =	sdelay $0x1  }
0x57: {  	v3 =	vshra.s32 v0, $0x7  }
0x58: {  	vm0 =	vlt.s32 v3, $0xA  }
0x59: {  	v0 =	vand.u32 $0x7F, v0;
	[tilespmem:s2+$0x4810] =	vst v1;
	v1 =	vnsel vm0, $0xA, v3  }
0x5a: {  	v0 =	vmin.u32 v0, $0x32;
	v2 =	vld.idx.msk [tilespmem:v2+s3+$0x0], $0xffff;
	v1 =	vshll.u32 v1, $0x7  }
0x5b: {  	v0 =	vor.u32 v0, v1;
	_ =	sdelay $0x3  }
0x5c: {  	[tilespmem:s2+$0x4820] =	vst v2  }
0x5d: {  	v0 =	vld.idx.msk [tilespmem:v0+s3+$0x0], $0xffff;
	_ =	sdelay $0x4  }
0x5e: {  	[tilespmem:s2+$0x4830] =	vst v0;
	s2 =	simm.s32 $0x0  }
0x5f: {  	[hbm4b:s6+s2] =	stream.linear.scatter [tilespmem:s25], [sflag:$0x4], $0x2000, $0x38;
	[tilespmem:$0x8800] =	vst v63  }
0x60: {  	_ =	swait.ge [sflag:s26], $0x2000  }
0x61: {  	[sflag:s26] =	ssyncset.done $0x0  }
0x62: {  	s0 =	simm.s32 $0x0;
	[sflag:s26] =	ssyncadd.s32 $0xFFFFE000  }
0x63: {  	[tilespmem:s22], [sflag:$0x2] =	stream.linear.gather [hbm4b:s7+s2], $0x2000, $0x38;
	[tilespmem:$0x8800] =	vst v63  }
0x64: {  	v0 =	vld [tilespmem:s0+$0x2800];
	_ =	sdelay $0x4  }
0x65: {  	v1 =	vshra.s32 v0, $0x7  }
0x66: {  	v2 =	vld [tilespmem:s0+$0x2810];
	vm0 =	vlt.s32 v1, $0xA  }
0x67: {  	v0 =	vand.u32 $0x7F, v0;
	v1 =	vnsel vm0, $0xA, v1  }
0x68: {  	v0 =	vmin.u32 v0, $0x32;
	v1 =	vshll.u32 v1, $0x7  }
0x69: {  	v0 =	vor.u32 v0, v1;
	_ =	sdelay $0x1  }
0x6a: {  	v1 =	vshra.s32 v2, $0x7  }
0x6b: {  	vm0 =	vlt.s32 v1, $0xA  }
0x6c: {  	v2 =	vand.u32 $0x7F, v2;
	v1 =	vnsel vm0, $0xA, v1  }
0x6d: {  	v2 =	vmin.u32 v2, $0x32;
	v1 =	vshll.u32 v1, $0x7;
	v0 =	vld.idx.msk [tilespmem:v0+s3+$0x0], $0xffff  }
0x6e: {  	v1 =	vor.u32 v2, v1;
	v2 =	vld [tilespmem:s0+$0x2820];
	_ =	sdelay $0x3  }
0x6f: {  	[tilespmem:s0+$0x6800] =	vst v0  }
0x70: {  	v4 =	vld.idx.msk [tilespmem:v1+s3+$0x0], $0xffff;
	v1 =	vshra.s32 v2, $0x7  }
0x71: {  	vm0 =	vlt.s32 v1, $0xA  }
0x72: {  	v0 =	vld [tilespmem:s0+$0x2830];
	v2 =	vand.u32 $0x7F, v2;
	v1 =	vnsel vm0, $0xA, v1  }
0x73: {  	v2 =	vmin.u32 v2, $0x32;
	v5 =	vshll.u32 v1, $0x7  }
0x74: {  	v2 =	vor.u32 v2, v5;
	_ =	sdelay $0x2  }
0x75: {  	s2 =	simm.s32 $0x80;
	v3 =	vshra.s32 v0, $0x7  }
0x76: {  	s1 =	simm.s32 $0x400;
	v1 =	vld [tilespmem:s2+$0x2800];
	[tilespmem:s0+$0x6810] =	vst v4;
	vm0 =	vlt.s32 v3, $0xA  }
.LBB2_4:
0x77: {  	p0 =	sne.s32 s1, $0x7E00;
	v2 =	vld.idx.msk [tilespmem:v2+s3+$0x0], $0xffff;
	v3 =	vnsel vm0, $0xA, v3;
	v0 =	vand.u32 $0x7F, v0  }
0x78: {  	v0 =	vmin.u32 v0, $0x32;
	v3 =	vshll.u32 v3, $0x7  }
0x79: {  	v0 =	vor.u32 v0, v3;
	_ =	sdelay $0x2  }
0x7a: {  	v3 =	vshra.s32 v1, $0x7  }
0x7b: {  	vm0 =	vlt.s32 v3, $0xA;
	v4 =	vld [tilespmem:s2+$0x2810];
	[tilespmem:s0+$0x6820] =	vst v2  }
0x7c: {  	v1 =	vand.u32 $0x7F, v1;
	v2 =	vnsel vm0, $0xA, v3;
	v0 =	vld.idx.msk [tilespmem:v0+s3+$0x0], $0xffff  }
0x7d: {  	v1 =	vmin.u32 v1, $0x32;
	v2 =	vshll.u32 v2, $0x7  }
0x7e: {  	v1 =	vor.u32 v1, v2;
	_ =	sdelay $0x2  }
0x7f: {  	v2 =	vshra.s32 v4, $0x7  }
0x80: {  	vm0 =	vlt.s32 v2, $0xA;
	v3 =	vld [tilespmem:s2+$0x2820];
	[tilespmem:s0+$0x6830] =	vst v0;
	s0 =	smov.u32 s2  }
0x81: {  	v0 =	vld.idx.msk [tilespmem:v1+s3+$0x0], $0xffff;
	v1 =	vnsel vm0, $0xA, v2;
	v2 =	vand.u32 $0x7F, v4  }
0x82: {  	v2 =	vmin.u32 v2, $0x32;
	v1 =	vshll.u32 v1, $0x7  }
0x83: {  	v1 =	vor.u32 v2, v1;
	_ =	sdelay $0x2  }
0x84: {  	v2 =	vshra.s32 v3, $0x7  }
0x85: {  	vm0 =	vlt.s32 v2, $0xA;
	[tilespmem:s0+$0x6800] =	vst v0;
	v0 =	vld [tilespmem:s0+$0x2830]  }
0x86: {  	v4 =	vld.idx.msk [tilespmem:v1+s3+$0x0], $0xffff;
	v1 =	vnsel vm0, $0xA, v2;
	v2 =	vand.u32 $0x7F, v3  }
0x87: {  	v2 =	vmin.u32 v2, $0x32;
	v1 =	vshll.u32 v1, $0x7  }
.Ltmp1:
0x88: {  	v2 =	vor.u32 v2, v1;
	(pc) =	sbr.rel @p0 .LBB2_4-.Ltmp1, $3  }
0x89: {  	_ =	sdelay $0x1  }
0x8a: {  	s2 =	sshra.s32 s1, $0x2;
	v3 =	vshra.s32 v0, $0x7  }
0x8b: {  	s1 =	sadd.s32 $0x200, s1;
	vm0 =	vlt.s32 v3, $0xA;
	v1 =	vld [tilespmem:s2+$0x2800];
	[tilespmem:s0+$0x6810] =	vst v4  }
0x8c: {  	_ =	sdelay $0x2  }
0x8d: {  	v3 =	vnsel vm0, $0xA, v3;
	v0 =	vand.u32 $0x7F, v0  }
0x8e: {  	v2 =	vld.idx.msk [tilespmem:v2+s3+$0x0], $0xffff;
	v0 =	vmin.u32 v0, $0x32;
	v3 =	vshll.u32 v3, $0x7  }
0x8f: {  	v0 =	vor.u32 v0, v3;
	_ =	sdelay $0x1  }
0x90: {  	v3 =	vshra.s32 v1, $0x7  }
0x91: {  	vm0 =	vlt.s32 v3, $0xA  }
0x92: {  	v4 =	vld [tilespmem:s2+$0x2810];
	v1 =	vand.u32 $0x7F, v1;
	[tilespmem:s0+$0x6820] =	vst v2;
	v2 =	vnsel vm0, $0xA, v3  }
0x93: {  	v1 =	vmin.u32 v1, $0x32;
	v0 =	vld.idx.msk [tilespmem:v0+s3+$0x0], $0xffff;
	v2 =	vshll.u32 v2, $0x7  }
0x94: {  	v1 =	vor.u32 v1, v2;
	_ =	sdelay $0x2  }
0x95: {  	v3 =	vshra.s32 v4, $0x7  }
0x96: {  	vm0 =	vlt.s32 v3, $0xA;
	v2 =	vld [tilespmem:s2+$0x2820];
	[tilespmem:s0+$0x6830] =	vst v0  }
0x97: {  	v0 =	vld.idx.msk [tilespmem:v1+s3+$0x0], $0xffff;
	v1 =	vnsel vm0, $0xA, v3;
	v3 =	vand.u32 $0x7F, v4  }
0x98: {  	v3 =	vmin.u32 v3, $0x32;
	v1 =	vshll.u32 v1, $0x7  }
0x99: {  	v1 =	vor.u32 v3, v1;
	_ =	sdelay $0x1  }
0x9a: {  	v3 =	vshra.s32 v2, $0x7  }
0x9b: {  	vm0 =	vlt.s32 v3, $0xA;
	[tilespmem:s2+$0x6800] =	vst v0;
	v0 =	vld [tilespmem:s2+$0x2830]  }
0x9c: {  	v2 =	vand.u32 $0x7F, v2;
	v3 =	vnsel vm0, $0xA, v3  }
0x9d: {  	v2 =	vmin.u32 v2, $0x32;
	v3 =	vshll.u32 v3, $0x7;
	v1 =	vld.idx.msk [tilespmem:v1+s3+$0x0], $0xffff  }
0x9e: {  	v2 =	vor.u32 v2, v3;
	_ =	sdelay $0x1  }
0x9f: {  	v3 =	vshra.s32 v0, $0x7  }
0xa0: {  	vm0 =	vlt.s32 v3, $0xA  }
0xa1: {  	v0 =	vand.u32 $0x7F, v0;
	[tilespmem:s2+$0x6810] =	vst v1;
	v1 =	vnsel vm0, $0xA, v3  }
0xa2: {  	v0 =	vmin.u32 v0, $0x32;
	v2 =	vld.idx.msk [tilespmem:v2+s3+$0x0], $0xffff;
	v1 =	vshll.u32 v1, $0x7  }
0xa3: {  	v0 =	vor.u32 v0, v1;
	_ =	sdelay $0x3  }
0xa4: {  	[tilespmem:s2+$0x6820] =	vst v2  }
0xa5: {  	v0 =	vld.idx.msk [tilespmem:v0+s3+$0x0], $0xffff;
	_ =	sdelay $0x4  }
0xa6: {  	[tilespmem:s2+$0x6830] =	vst v0;
	s2 =	simm.s32 $0x0  }
0xa7: {  	[hbm4b:s8+s2] =	stream.linear.scatter [tilespmem:s28], [sflag:$0x5], $0x2000, $0x38;
	[tilespmem:$0x8800] =	vst v63  }
0xa8: {  	_ =	swait.ge [sflag:s23], $0x2000  }
0xa9: {  	[sflag:s23] =	ssyncset.done $0x0  }
0xaa: {  	[sflag:s23] =	ssyncadd.s32 $0xFFFFE000  }
0xab: {  	[tilespmem:s24], [sflag:$0x3] =	stream.linear.gather [hbm4b:s9+s2], $0x2000, $0x38;
	[tilespmem:$0x8800] =	vst v63  }
0xac: {  	_ =	swait.ge [sflag:s29], $0x2000  }
0xad: {  	[sflag:s29] =	ssyncset.done $0x0  }
0xae: {  	s0 =	simm.s32 $0x0;
	[sflag:s29] =	ssyncadd.s32 $0xFFFFE000  }
0xaf: {  	v0 =	vld [tilespmem:s0+$0x800];
	_ =	sdelay $0x4  }
0xb0: {  	v1 =	vshra.s32 v0, $0x7  }
0xb1: {  	v2 =	vld [tilespmem:s0+$0x810];
	vm0 =	vlt.s32 v1, $0xA  }
0xb2: {  	v0 =	vand.u32 $0x7F, v0;
	v1 =	vnsel vm0, $0xA, v1  }
0xb3: {  	v0 =	vmin.u32 v0, $0x32;
	v1 =	vshll.u32 v1, $0x7  }
0xb4: {  	v0 =	vor.u32 v0, v1;
	_ =	sdelay $0x1  }
0xb5: {  	v1 =	vshra.s32 v2, $0x7  }
0xb6: {  	vm0 =	vlt.s32 v1, $0xA  }
0xb7: {  	v2 =	vand.u32 $0x7F, v2;
	v1 =	vnsel vm0, $0xA, v1  }
0xb8: {  	v2 =	vmin.u32 v2, $0x32;
	v1 =	vshll.u32 v1, $0x7;
	v0 =	vld.idx.msk [tilespmem:v0+s3+$0x0], $0xffff  }
0xb9: {  	v1 =	vor.u32 v2, v1;
	v2 =	vld [tilespmem:s0+$0x820];
	_ =	sdelay $0x3  }
0xba: {  	[tilespmem:s0+$0x4800] =	vst v0  }
0xbb: {  	v4 =	vld.idx.msk [tilespmem:v1+s3+$0x0], $0xffff;
	v1 =	vshra.s32 v2, $0x7  }
0xbc: {  	vm0 =	vlt.s32 v1, $0xA  }
0xbd: {  	v0 =	vld [tilespmem:s0+$0x830];
	v2 =	vand.u32 $0x7F, v2;
	v1 =	vnsel vm0, $0xA, v1  }
0xbe: {  	v2 =	vmin.u32 v2, $0x32;
	v5 =	vshll.u32 v1, $0x7  }
0xbf: {  	v2 =	vor.u32 v2, v5;
	_ =	sdelay $0x2  }
0xc0: {  	s2 =	simm.s32 $0x80;
	v3 =	vshra.s32 v0, $0x7  }
0xc1: {  	s1 =	simm.s32 $0x400;
	v1 =	vld [tilespmem:s2+$0x800];
	[tilespmem:s0+$0x4810] =	vst v4;
	vm0 =	vlt.s32 v3, $0xA  }
.LBB2_6:
0xc2: {  	p0 =	sne.s32 s1, $0x7E00;
	v2 =	vld.idx.msk [tilespmem:v2+s3+$0x0], $0xffff;
	v3 =	vnsel vm0, $0xA, v3;
	v0 =	vand.u32 $0x7F, v0  }
0xc3: {  	v0 =	vmin.u32 v0, $0x32;
	v3 =	vshll.u32 v3, $0x7  }
0xc4: {  	v0 =	vor.u32 v0, v3;
	_ =	sdelay $0x2  }
0xc5: {  	v3 =	vshra.s32 v1, $0x7  }
0xc6: {  	vm0 =	vlt.s32 v3, $0xA;
	v4 =	vld [tilespmem:s2+$0x810];
	[tilespmem:s0+$0x4820] =	vst v2  }
0xc7: {  	v1 =	vand.u32 $0x7F, v1;
	v2 =	vnsel vm0, $0xA, v3;
	v0 =	vld.idx.msk [tilespmem:v0+s3+$0x0], $0xffff  }
0xc8: {  	v1 =	vmin.u32 v1, $0x32;
	v2 =	vshll.u32 v2, $0x7  }
0xc9: {  	v1 =	vor.u32 v1, v2;
	_ =	sdelay $0x2  }
0xca: {  	v2 =	vshra.s32 v4, $0x7  }
0xcb: {  	vm0 =	vlt.s32 v2, $0xA;
	v3 =	vld [tilespmem:s2+$0x820];
	[tilespmem:s0+$0x4830] =	vst v0;
	s0 =	smov.u32 s2  }
0xcc: {  	v0 =	vld.idx.msk [tilespmem:v1+s3+$0x0], $0xffff;
	v1 =	vnsel vm0, $0xA, v2;
	v2 =	vand.u32 $0x7F, v4  }
0xcd: {  	v2 =	vmin.u32 v2, $0x32;
	v1 =	vshll.u32 v1, $0x7  }
0xce: {  	v1 =	vor.u32 v2, v1;
	_ =	sdelay $0x2  }
0xcf: {  	v2 =	vshra.s32 v3, $0x7  }
0xd0: {  	vm0 =	vlt.s32 v2, $0xA;
	[tilespmem:s0+$0x4800] =	vst v0;
	v0 =	vld [tilespmem:s0+$0x830]  }
0xd1: {  	v4 =	vld.idx.msk [tilespmem:v1+s3+$0x0], $0xffff;
	v1 =	vnsel vm0, $0xA, v2;
	v2 =	vand.u32 $0x7F, v3  }
0xd2: {  	v2 =	vmin.u32 v2, $0x32;
	v1 =	vshll.u32 v1, $0x7  }
.Ltmp2:
0xd3: {  	v2 =	vor.u32 v2, v1;
	(pc) =	sbr.rel @p0 .LBB2_6-.Ltmp2, $3  }
0xd4: {  	_ =	sdelay $0x1  }
0xd5: {  	s2 =	sshra.s32 s1, $0x2;
	v3 =	vshra.s32 v0, $0x7  }
0xd6: {  	s1 =	sadd.s32 $0x200, s1;
	vm0 =	vlt.s32 v3, $0xA;
	v1 =	vld [tilespmem:s2+$0x800];
	[tilespmem:s0+$0x4810] =	vst v4  }
0xd7: {  	_ =	sdelay $0x2  }
0xd8: {  	v3 =	vnsel vm0, $0xA, v3;
	v0 =	vand.u32 $0x7F, v0  }
0xd9: {  	v2 =	vld.idx.msk [tilespmem:v2+s3+$0x0], $0xffff;
	v0 =	vmin.u32 v0, $0x32;
	v3 =	vshll.u32 v3, $0x7  }
0xda: {  	v0 =	vor.u32 v0, v3;
	_ =	sdelay $0x1  }
0xdb: {  	v3 =	vshra.s32 v1, $0x7  }
0xdc: {  	vm0 =	vlt.s32 v3, $0xA  }
0xdd: {  	v4 =	vld [tilespmem:s2+$0x810];
	v1 =	vand.u32 $0x7F, v1;
	[tilespmem:s0+$0x4820] =	vst v2;
	v2 =	vnsel vm0, $0xA, v3  }
0xde: {  	v1 =	vmin.u32 v1, $0x32;
	v0 =	vld.idx.msk [tilespmem:v0+s3+$0x0], $0xffff;
	v2 =	vshll.u32 v2, $0x7  }
0xdf: {  	v1 =	vor.u32 v1, v2;
	_ =	sdelay $0x2  }
0xe0: {  	v3 =	vshra.s32 v4, $0x7  }
0xe1: {  	vm0 =	vlt.s32 v3, $0xA;
	v2 =	vld [tilespmem:s2+$0x820];
	[tilespmem:s0+$0x4830] =	vst v0  }
0xe2: {  	v0 =	vld.idx.msk [tilespmem:v1+s3+$0x0], $0xffff;
	v1 =	vnsel vm0, $0xA, v3;
	v3 =	vand.u32 $0x7F, v4  }
0xe3: {  	v3 =	vmin.u32 v3, $0x32;
	v1 =	vshll.u32 v1, $0x7  }
0xe4: {  	v1 =	vor.u32 v3, v1;
	_ =	sdelay $0x1  }
0xe5: {  	v3 =	vshra.s32 v2, $0x7  }
0xe6: {  	vm0 =	vlt.s32 v3, $0xA;
	[tilespmem:s2+$0x4800] =	vst v0;
	v0 =	vld [tilespmem:s2+$0x830]  }
0xe7: {  	v2 =	vand.u32 $0x7F, v2;
	v3 =	vnsel vm0, $0xA, v3  }
0xe8: {  	v2 =	vmin.u32 v2, $0x32;
	v3 =	vshll.u32 v3, $0x7;
	v1 =	vld.idx.msk [tilespmem:v1+s3+$0x0], $0xffff  }
0xe9: {  	v2 =	vor.u32 v2, v3;
	_ =	sdelay $0x1  }
0xea: {  	v3 =	vshra.s32 v0, $0x7  }
0xeb: {  	vm0 =	vlt.s32 v3, $0xA  }
0xec: {  	v0 =	vand.u32 $0x7F, v0;
	[tilespmem:s2+$0x4810] =	vst v1;
	v1 =	vnsel vm0, $0xA, v3  }
0xed: {  	v0 =	vmin.u32 v0, $0x32;
	v2 =	vld.idx.msk [tilespmem:v2+s3+$0x0], $0xffff;
	v1 =	vshll.u32 v1, $0x7  }
0xee: {  	v0 =	vor.u32 v0, v1;
	_ =	sdelay $0x3  }
0xef: {  	[tilespmem:s2+$0x4820] =	vst v2  }
0xf0: {  	v0 =	vld.idx.msk [tilespmem:v0+s3+$0x0], $0xffff;
	_ =	sdelay $0x4  }
0xf1: {  	[tilespmem:s2+$0x4830] =	vst v0;
	s2 =	simm.s32 $0x0  }
0xf2: {  	[hbm4b:s10+s2] =	stream.linear.scatter [tilespmem:s25], [sflag:$0x4], $0x2000, $0x38;
	[tilespmem:$0x8800] =	vst v63  }
0xf3: {  	_ =	swait.ge [sflag:s26], $0x2000  }
0xf4: {  	[sflag:s26] =	ssyncset.done $0x0  }
0xf5: {  	[sflag:s26] =	ssyncadd.s32 $0xFFFFE000  }
0xf6: {  	[tilespmem:s22], [sflag:$0x2] =	stream.linear.gather [hbm4b:s11+s2], $0x2000, $0x38;
	[tilespmem:$0x8800] =	vst v63  }
0xf7: {  	_ =	swait.ge [sflag:s30], $0x2000  }
0xf8: {  	[sflag:s30] =	ssyncset.done $0x0  }
0xf9: {  	s0 =	simm.s32 $0x0;
	[sflag:s30] =	ssyncadd.s32 $0xFFFFE000  }
0xfa: {  	v0 =	vld [tilespmem:s0+$0x2800];
	_ =	sdelay $0x4  }
0xfb: {  	v1 =	vshra.s32 v0, $0x7  }
0xfc: {  	v2 =	vld [tilespmem:s0+$0x2810];
	vm0 =	vlt.s32 v1, $0xA  }
0xfd: {  	v0 =	vand.u32 $0x7F, v0;
	v1 =	vnsel vm0, $0xA, v1  }
0xfe: {  	v0 =	vmin.u32 v0, $0x32;
	v1 =	vshll.u32 v1, $0x7  }
0xff: {  	v0 =	vor.u32 v0, v1;
	_ =	sdelay $0x1  }
0x100: {  	v1 =	vshra.s32 v2, $0x7  }
0x101: {  	vm0 =	vlt.s32 v1, $0xA  }
0x102: {  	v2 =	vand.u32 $0x7F, v2;
	v1 =	vnsel vm0, $0xA, v1  }
0x103: {  	v2 =	vmin.u32 v2, $0x32;
	v1 =	vshll.u32 v1, $0x7;
	v0 =	vld.idx.msk [tilespmem:v0+s3+$0x0], $0xffff  }
0x104: {  	v1 =	vor.u32 v2, v1;
	v2 =	vld [tilespmem:s0+$0x2820];
	_ =	sdelay $0x3  }
0x105: {  	[tilespmem:s0+$0x6800] =	vst v0  }
0x106: {  	v4 =	vld.idx.msk [tilespmem:v1+s3+$0x0], $0xffff;
	v1 =	vshra.s32 v2, $0x7  }
0x107: {  	vm0 =	vlt.s32 v1, $0xA  }
0x108: {  	v0 =	vld [tilespmem:s0+$0x2830];
	v2 =	vand.u32 $0x7F, v2;
	v1 =	vnsel vm0, $0xA, v1  }
0x109: {  	v2 =	vmin.u32 v2, $0x32;
	v5 =	vshll.u32 v1, $0x7  }
0x10a: {  	v2 =	vor.u32 v2, v5;
	_ =	sdelay $0x2  }
0x10b: {  	s2 =	simm.s32 $0x80;
	v3 =	vshra.s32 v0, $0x7  }
0x10c: {  	s1 =	simm.s32 $0x400;
	v1 =	vld [tilespmem:s2+$0x2800];
	[tilespmem:s0+$0x6810] =	vst v4;
	vm0 =	vlt.s32 v3, $0xA  }
.LBB2_8:
0x10d: {  	p0 =	sne.s32 s1, $0x7E00;
	v2 =	vld.idx.msk [tilespmem:v2+s3+$0x0], $0xffff;
	v3 =	vnsel vm0, $0xA, v3;
	v0 =	vand.u32 $0x7F, v0  }
0x10e: {  	v0 =	vmin.u32 v0, $0x32;
	v3 =	vshll.u32 v3, $0x7  }
0x10f: {  	v0 =	vor.u32 v0, v3;
	_ =	sdelay $0x2  }
0x110: {  	v3 =	vshra.s32 v1, $0x7  }
0x111: {  	vm0 =	vlt.s32 v3, $0xA;
	v4 =	vld [tilespmem:s2+$0x2810];
	[tilespmem:s0+$0x6820] =	vst v2  }
0x112: {  	v1 =	vand.u32 $0x7F, v1;
	v2 =	vnsel vm0, $0xA, v3;
	v0 =	vld.idx.msk [tilespmem:v0+s3+$0x0], $0xffff  }
0x113: {  	v1 =	vmin.u32 v1, $0x32;
	v2 =	vshll.u32 v2, $0x7  }
0x114: {  	v1 =	vor.u32 v1, v2;
	_ =	sdelay $0x2  }
0x115: {  	v2 =	vshra.s32 v4, $0x7  }
0x116: {  	vm0 =	vlt.s32 v2, $0xA;
	v3 =	vld [tilespmem:s2+$0x2820];
	[tilespmem:s0+$0x6830] =	vst v0;
	s0 =	smov.u32 s2  }
0x117: {  	v0 =	vld.idx.msk [tilespmem:v1+s3+$0x0], $0xffff;
	v1 =	vnsel vm0, $0xA, v2;
	v2 =	vand.u32 $0x7F, v4  }
0x118: {  	v2 =	vmin.u32 v2, $0x32;
	v1 =	vshll.u32 v1, $0x7  }
0x119: {  	v1 =	vor.u32 v2, v1;
	_ =	sdelay $0x2  }
0x11a: {  	v2 =	vshra.s32 v3, $0x7  }
0x11b: {  	vm0 =	vlt.s32 v2, $0xA;
	[tilespmem:s0+$0x6800] =	vst v0;
	v0 =	vld [tilespmem:s0+$0x2830]  }
0x11c: {  	v4 =	vld.idx.msk [tilespmem:v1+s3+$0x0], $0xffff;
	v1 =	vnsel vm0, $0xA, v2;
	v2 =	vand.u32 $0x7F, v3  }
0x11d: {  	v2 =	vmin.u32 v2, $0x32;
	v1 =	vshll.u32 v1, $0x7  }
.Ltmp3:
0x11e: {  	v2 =	vor.u32 v2, v1;
	(pc) =	sbr.rel @p0 .LBB2_8-.Ltmp3, $3  }
0x11f: {  	_ =	sdelay $0x1  }
0x120: {  	s2 =	sshra.s32 s1, $0x2;
	v3 =	vshra.s32 v0, $0x7  }
0x121: {  	s1 =	sadd.s32 $0x200, s1;
	vm0 =	vlt.s32 v3, $0xA;
	v1 =	vld [tilespmem:s2+$0x2800];
	[tilespmem:s0+$0x6810] =	vst v4  }
0x122: {  	_ =	sdelay $0x2  }
0x123: {  	v3 =	vnsel vm0, $0xA, v3;
	v0 =	vand.u32 $0x7F, v0  }
0x124: {  	v2 =	vld.idx.msk [tilespmem:v2+s3+$0x0], $0xffff;
	v0 =	vmin.u32 v0, $0x32;
	v3 =	vshll.u32 v3, $0x7  }
0x125: {  	v0 =	vor.u32 v0, v3;
	_ =	sdelay $0x1  }
0x126: {  	v3 =	vshra.s32 v1, $0x7  }
0x127: {  	vm0 =	vlt.s32 v3, $0xA  }
0x128: {  	v4 =	vld [tilespmem:s2+$0x2810];
	v1 =	vand.u32 $0x7F, v1;
	[tilespmem:s0+$0x6820] =	vst v2;
	v2 =	vnsel vm0, $0xA, v3  }
0x129: {  	v1 =	vmin.u32 v1, $0x32;
	v0 =	vld.idx.msk [tilespmem:v0+s3+$0x0], $0xffff;
	v2 =	vshll.u32 v2, $0x7  }
0x12a: {  	v1 =	vor.u32 v1, v2;
	_ =	sdelay $0x2  }
0x12b: {  	v3 =	vshra.s32 v4, $0x7  }
0x12c: {  	vm0 =	vlt.s32 v3, $0xA;
	v2 =	vld [tilespmem:s2+$0x2820];
	[tilespmem:s0+$0x6830] =	vst v0  }
0x12d: {  	v0 =	vld.idx.msk [tilespmem:v1+s3+$0x0], $0xffff;
	v1 =	vnsel vm0, $0xA, v3;
	v3 =	vand.u32 $0x7F, v4  }
0x12e: {  	v3 =	vmin.u32 v3, $0x32;
	v1 =	vshll.u32 v1, $0x7  }
0x12f: {  	v1 =	vor.u32 v3, v1;
	_ =	sdelay $0x1  }
0x130: {  	v3 =	vshra.s32 v2, $0x7  }
0x131: {  	vm0 =	vlt.s32 v3, $0xA;
	[tilespmem:s2+$0x6800] =	vst v0;
	v0 =	vld [tilespmem:s2+$0x2830]  }
0x132: {  	v2 =	vand.u32 $0x7F, v2;
	v3 =	vnsel vm0, $0xA, v3  }
0x133: {  	v2 =	vmin.u32 v2, $0x32;
	v3 =	vshll.u32 v3, $0x7;
	v1 =	vld.idx.msk [tilespmem:v1+s3+$0x0], $0xffff  }
0x134: {  	v2 =	vor.u32 v2, v3;
	_ =	sdelay $0x1  }
0x135: {  	v3 =	vshra.s32 v0, $0x7  }
0x136: {  	vm0 =	vlt.s32 v3, $0xA  }
0x137: {  	v0 =	vand.u32 $0x7F, v0;
	[tilespmem:s2+$0x6810] =	vst v1;
	v1 =	vnsel vm0, $0xA, v3  }
0x138: {  	v0 =	vmin.u32 v0, $0x32;
	v2 =	vld.idx.msk [tilespmem:v2+s3+$0x0], $0xffff;
	v1 =	vshll.u32 v1, $0x7  }
0x139: {  	v0 =	vor.u32 v0, v1;
	_ =	sdelay $0x3  }
0x13a: {  	[tilespmem:s2+$0x6820] =	vst v2  }
0x13b: {  	v0 =	vld.idx.msk [tilespmem:v0+s3+$0x0], $0xffff;
	_ =	sdelay $0x4  }
0x13c: {  	[tilespmem:s2+$0x6830] =	vst v0;
	s2 =	simm.s32 $0x0  }
0x13d: {  	[hbm4b:s12+s2] =	stream.linear.scatter [tilespmem:s28], [sflag:$0x5], $0x2000, $0x38;
	[tilespmem:$0x8800] =	vst v63  }
0x13e: {  	_ =	swait.ge [sflag:s23], $0x2000  }
0x13f: {  	[sflag:s23] =	ssyncset.done $0x0  }
0x140: {  	[sflag:s23] =	ssyncadd.s32 $0xFFFFE000  }
0x141: {  	[tilespmem:s24], [sflag:$0x3] =	stream.linear.gather [hbm4b:s13+s2], $0x2000, $0x38;
	[tilespmem:$0x8800] =	vst v63  }
0x142: {  	_ =	swait.ge [sflag:s29], $0x2000  }
0x143: {  	[sflag:s29] =	ssyncset.done $0x0  }
0x144: {  	s0 =	simm.s32 $0x0;
	[sflag:s29] =	ssyncadd.s32 $0xFFFFE000  }
0x145: {  	v0 =	vld [tilespmem:s0+$0x800];
	_ =	sdelay $0x4  }
0x146: {  	v1 =	vshra.s32 v0, $0x7  }
0x147: {  	v2 =	vld [tilespmem:s0+$0x810];
	vm0 =	vlt.s32 v1, $0xA  }
0x148: {  	v0 =	vand.u32 $0x7F, v0;
	v1 =	vnsel vm0, $0xA, v1  }
0x149: {  	v0 =	vmin.u32 v0, $0x32;
	v1 =	vshll.u32 v1, $0x7  }
0x14a: {  	v0 =	vor.u32 v0, v1;
	_ =	sdelay $0x1  }
0x14b: {  	v1 =	vshra.s32 v2, $0x7  }
0x14c: {  	vm0 =	vlt.s32 v1, $0xA  }
0x14d: {  	v2 =	vand.u32 $0x7F, v2;
	v1 =	vnsel vm0, $0xA, v1  }
0x14e: {  	v2 =	vmin.u32 v2, $0x32;
	v1 =	vshll.u32 v1, $0x7;
	v0 =	vld.idx.msk [tilespmem:v0+s3+$0x0], $0xffff  }
0x14f: {  	v1 =	vor.u32 v2, v1;
	v2 =	vld [tilespmem:s0+$0x820];
	_ =	sdelay $0x3  }
0x150: {  	[tilespmem:s0+$0x4800] =	vst v0  }
0x151: {  	v4 =	vld.idx.msk [tilespmem:v1+s3+$0x0], $0xffff;
	v1 =	vshra.s32 v2, $0x7  }
0x152: {  	vm0 =	vlt.s32 v1, $0xA  }
0x153: {  	v0 =	vld [tilespmem:s0+$0x830];
	v2 =	vand.u32 $0x7F, v2;
	v1 =	vnsel vm0, $0xA, v1  }
0x154: {  	v2 =	vmin.u32 v2, $0x32;
	v5 =	vshll.u32 v1, $0x7  }
0x155: {  	v2 =	vor.u32 v2, v5;
	_ =	sdelay $0x2  }
0x156: {  	s2 =	simm.s32 $0x80;
	v3 =	vshra.s32 v0, $0x7  }
0x157: {  	s1 =	simm.s32 $0x400;
	v1 =	vld [tilespmem:s2+$0x800];
	[tilespmem:s0+$0x4810] =	vst v4;
	vm0 =	vlt.s32 v3, $0xA  }
.LBB2_10:
0x158: {  	p0 =	sne.s32 s1, $0x7E00;
	v2 =	vld.idx.msk [tilespmem:v2+s3+$0x0], $0xffff;
	v3 =	vnsel vm0, $0xA, v3;
	v0 =	vand.u32 $0x7F, v0  }
0x159: {  	v0 =	vmin.u32 v0, $0x32;
	v3 =	vshll.u32 v3, $0x7  }
0x15a: {  	v0 =	vor.u32 v0, v3;
	_ =	sdelay $0x2  }
0x15b: {  	v3 =	vshra.s32 v1, $0x7  }
0x15c: {  	vm0 =	vlt.s32 v3, $0xA;
	v4 =	vld [tilespmem:s2+$0x810];
	[tilespmem:s0+$0x4820] =	vst v2  }
0x15d: {  	v1 =	vand.u32 $0x7F, v1;
	v2 =	vnsel vm0, $0xA, v3;
	v0 =	vld.idx.msk [tilespmem:v0+s3+$0x0], $0xffff  }
0x15e: {  	v1 =	vmin.u32 v1, $0x32;
	v2 =	vshll.u32 v2, $0x7  }
0x15f: {  	v1 =	vor.u32 v1, v2;
	_ =	sdelay $0x2  }
0x160: {  	v2 =	vshra.s32 v4, $0x7  }
0x161: {  	vm0 =	vlt.s32 v2, $0xA;
	v3 =	vld [tilespmem:s2+$0x820];
	[tilespmem:s0+$0x4830] =	vst v0;
	s0 =	smov.u32 s2  }
0x162: {  	v0 =	vld.idx.msk [tilespmem:v1+s3+$0x0], $0xffff;
	v1 =	vnsel vm0, $0xA, v2;
	v2 =	vand.u32 $0x7F, v4  }
0x163: {  	v2 =	vmin.u32 v2, $0x32;
	v1 =	vshll.u32 v1, $0x7  }
0x164: {  	v1 =	vor.u32 v2, v1;
	_ =	sdelay $0x2  }
0x165: {  	v2 =	vshra.s32 v3, $0x7  }
0x166: {  	vm0 =	vlt.s32 v2, $0xA;
	[tilespmem:s0+$0x4800] =	vst v0;
	v0 =	vld [tilespmem:s0+$0x830]  }
0x167: {  	v4 =	vld.idx.msk [tilespmem:v1+s3+$0x0], $0xffff;
	v1 =	vnsel vm0, $0xA, v2;
	v2 =	vand.u32 $0x7F, v3  }
0x168: {  	v2 =	vmin.u32 v2, $0x32;
	v1 =	vshll.u32 v1, $0x7  }
.Ltmp4:
0x169: {  	v2 =	vor.u32 v2, v1;
	(pc) =	sbr.rel @p0 .LBB2_10-.Ltmp4, $3  }
0x16a: {  	_ =	sdelay $0x1  }
0x16b: {  	s2 =	sshra.s32 s1, $0x2;
	v3 =	vshra.s32 v0, $0x7  }
0x16c: {  	s1 =	sadd.s32 $0x200, s1;
	vm0 =	vlt.s32 v3, $0xA;
	v1 =	vld [tilespmem:s2+$0x800];
	[tilespmem:s0+$0x4810] =	vst v4  }
0x16d: {  	_ =	sdelay $0x2  }
0x16e: {  	v3 =	vnsel vm0, $0xA, v3;
	v0 =	vand.u32 $0x7F, v0  }
0x16f: {  	v2 =	vld.idx.msk [tilespmem:v2+s3+$0x0], $0xffff;
	v0 =	vmin.u32 v0, $0x32;
	v3 =	vshll.u32 v3, $0x7  }
0x170: {  	v0 =	vor.u32 v0, v3;
	_ =	sdelay $0x1  }
0x171: {  	v3 =	vshra.s32 v1, $0x7  }
0x172: {  	vm0 =	vlt.s32 v3, $0xA  }
0x173: {  	v4 =	vld [tilespmem:s2+$0x810];
	v1 =	vand.u32 $0x7F, v1;
	[tilespmem:s0+$0x4820] =	vst v2;
	v2 =	vnsel vm0, $0xA, v3  }
0x174: {  	v1 =	vmin.u32 v1, $0x32;
	v0 =	vld.idx.msk [tilespmem:v0+s3+$0x0], $0xffff;
	v2 =	vshll.u32 v2, $0x7  }
0x175: {  	v1 =	vor.u32 v1, v2;
	_ =	sdelay $0x2  }
0x176: {  	v3 =	vshra.s32 v4, $0x7  }
0x177: {  	vm0 =	vlt.s32 v3, $0xA;
	v2 =	vld [tilespmem:s2+$0x820];
	[tilespmem:s0+$0x4830] =	vst v0  }
0x178: {  	v0 =	vld.idx.msk [tilespmem:v1+s3+$0x0], $0xffff;
	v1 =	vnsel vm0, $0xA, v3;
	v3 =	vand.u32 $0x7F, v4  }
0x179: {  	v3 =	vmin.u32 v3, $0x32;
	v1 =	vshll.u32 v1, $0x7  }
0x17a: {  	v1 =	vor.u32 v3, v1;
	_ =	sdelay $0x1  }
0x17b: {  	v3 =	vshra.s32 v2, $0x7  }
0x17c: {  	vm0 =	vlt.s32 v3, $0xA;
	[tilespmem:s2+$0x4800] =	vst v0;
	v0 =	vld [tilespmem:s2+$0x830]  }
0x17d: {  	v2 =	vand.u32 $0x7F, v2;
	v3 =	vnsel vm0, $0xA, v3  }
0x17e: {  	v2 =	vmin.u32 v2, $0x32;
	v3 =	vshll.u32 v3, $0x7;
	v1 =	vld.idx.msk [tilespmem:v1+s3+$0x0], $0xffff  }
0x17f: {  	v2 =	vor.u32 v2, v3;
	_ =	sdelay $0x1  }
0x180: {  	v3 =	vshra.s32 v0, $0x7  }
0x181: {  	vm0 =	vlt.s32 v3, $0xA  }
0x182: {  	v0 =	vand.u32 $0x7F, v0;
	[tilespmem:s2+$0x4810] =	vst v1;
	v1 =	vnsel vm0, $0xA, v3  }
0x183: {  	v0 =	vmin.u32 v0, $0x32;
	v2 =	vld.idx.msk [tilespmem:v2+s3+$0x0], $0xffff;
	v1 =	vshll.u32 v1, $0x7  }
0x184: {  	v0 =	vor.u32 v0, v1;
	_ =	sdelay $0x3  }
0x185: {  	[tilespmem:s2+$0x4820] =	vst v2  }
0x186: {  	v0 =	vld.idx.msk [tilespmem:v0+s3+$0x0], $0xffff;
	_ =	sdelay $0x4  }
0x187: {  	[tilespmem:s2+$0x4830] =	vst v0;
	s2 =	simm.s32 $0x0  }
0x188: {  	[hbm4b:s14+s2] =	stream.linear.scatter [tilespmem:s25], [sflag:$0x4], $0x2000, $0x38;
	[tilespmem:$0x8800] =	vst v63  }
0x189: {  	_ =	swait.ge [sflag:s26], $0x2000  }
0x18a: {  	[sflag:s26] =	ssyncset.done $0x0  }
0x18b: {  	[sflag:s26] =	ssyncadd.s32 $0xFFFFE000  }
0x18c: {  	[tilespmem:s22], [sflag:$0x2] =	stream.linear.gather [hbm4b:s15+s2], $0x2000, $0x38;
	[tilespmem:$0x8800] =	vst v63  }
0x18d: {  	_ =	swait.ge [sflag:s30], $0x2000  }
0x18e: {  	[sflag:s30] =	ssyncset.done $0x0  }
0x18f: {  	s0 =	simm.s32 $0x0;
	[sflag:s30] =	ssyncadd.s32 $0xFFFFE000  }
0x190: {  	v0 =	vld [tilespmem:s0+$0x2800];
	_ =	sdelay $0x4  }
0x191: {  	v1 =	vshra.s32 v0, $0x7  }
0x192: {  	v2 =	vld [tilespmem:s0+$0x2810];
	vm0 =	vlt.s32 v1, $0xA  }
0x193: {  	v0 =	vand.u32 $0x7F, v0;
	v1 =	vnsel vm0, $0xA, v1  }
0x194: {  	v0 =	vmin.u32 v0, $0x32;
	v1 =	vshll.u32 v1, $0x7  }
0x195: {  	v0 =	vor.u32 v0, v1;
	_ =	sdelay $0x1  }
0x196: {  	v1 =	vshra.s32 v2, $0x7  }
0x197: {  	vm0 =	vlt.s32 v1, $0xA  }
0x198: {  	v2 =	vand.u32 $0x7F, v2;
	v1 =	vnsel vm0, $0xA, v1  }
0x199: {  	v2 =	vmin.u32 v2, $0x32;
	v1 =	vshll.u32 v1, $0x7;
	v0 =	vld.idx.msk [tilespmem:v0+s3+$0x0], $0xffff  }
0x19a: {  	v1 =	vor.u32 v2, v1;
	v2 =	vld [tilespmem:s0+$0x2820];
	_ =	sdelay $0x3  }
0x19b: {  	[tilespmem:s0+$0x6800] =	vst v0  }
0x19c: {  	v4 =	vld.idx.msk [tilespmem:v1+s3+$0x0], $0xffff;
	v1 =	vshra.s32 v2, $0x7  }
0x19d: {  	vm0 =	vlt.s32 v1, $0xA  }
0x19e: {  	v0 =	vld [tilespmem:s0+$0x2830];
	v2 =	vand.u32 $0x7F, v2;
	v1 =	vnsel vm0, $0xA, v1  }
0x19f: {  	v2 =	vmin.u32 v2, $0x32;
	v5 =	vshll.u32 v1, $0x7  }
0x1a0: {  	v2 =	vor.u32 v2, v5;
	_ =	sdelay $0x2  }
0x1a1: {  	s2 =	simm.s32 $0x80;
	v3 =	vshra.s32 v0, $0x7  }
0x1a2: {  	s1 =	simm.s32 $0x400;
	v1 =	vld [tilespmem:s2+$0x2800];
	[tilespmem:s0+$0x6810] =	vst v4;
	vm0 =	vlt.s32 v3, $0xA  }
.LBB2_12:
0x1a3: {  	p0 =	sne.s32 s1, $0x7E00;
	v2 =	vld.idx.msk [tilespmem:v2+s3+$0x0], $0xffff;
	v3 =	vnsel vm0, $0xA, v3;
	v0 =	vand.u32 $0x7F, v0  }
0x1a4: {  	v0 =	vmin.u32 v0, $0x32;
	v3 =	vshll.u32 v3, $0x7  }
0x1a5: {  	v0 =	vor.u32 v0, v3;
	_ =	sdelay $0x2  }
0x1a6: {  	v3 =	vshra.s32 v1, $0x7  }
0x1a7: {  	vm0 =	vlt.s32 v3, $0xA;
	v4 =	vld [tilespmem:s2+$0x2810];
	[tilespmem:s0+$0x6820] =	vst v2  }
0x1a8: {  	v1 =	vand.u32 $0x7F, v1;
	v2 =	vnsel vm0, $0xA, v3;
	v0 =	vld.idx.msk [tilespmem:v0+s3+$0x0], $0xffff  }
0x1a9: {  	v1 =	vmin.u32 v1, $0x32;
	v2 =	vshll.u32 v2, $0x7  }
0x1aa: {  	v1 =	vor.u32 v1, v2;
	_ =	sdelay $0x2  }
0x1ab: {  	v2 =	vshra.s32 v4, $0x7  }
0x1ac: {  	vm0 =	vlt.s32 v2, $0xA;
	v3 =	vld [tilespmem:s2+$0x2820];
	[tilespmem:s0+$0x6830] =	vst v0;
	s0 =	smov.u32 s2  }
0x1ad: {  	v0 =	vld.idx.msk [tilespmem:v1+s3+$0x0], $0xffff;
	v1 =	vnsel vm0, $0xA, v2;
	v2 =	vand.u32 $0x7F, v4  }
0x1ae: {  	v2 =	vmin.u32 v2, $0x32;
	v1 =	vshll.u32 v1, $0x7  }
0x1af: {  	v1 =	vor.u32 v2, v1;
	_ =	sdelay $0x2  }
0x1b0: {  	v2 =	vshra.s32 v3, $0x7  }
0x1b1: {  	vm0 =	vlt.s32 v2, $0xA;
	[tilespmem:s0+$0x6800] =	vst v0;
	v0 =	vld [tilespmem:s0+$0x2830]  }
0x1b2: {  	v4 =	vld.idx.msk [tilespmem:v1+s3+$0x0], $0xffff;
	v1 =	vnsel vm0, $0xA, v2;
	v2 =	vand.u32 $0x7F, v3  }
0x1b3: {  	v2 =	vmin.u32 v2, $0x32;
	v1 =	vshll.u32 v1, $0x7  }
.Ltmp5:
0x1b4: {  	v2 =	vor.u32 v2, v1;
	(pc) =	sbr.rel @p0 .LBB2_12-.Ltmp5, $3  }
0x1b5: {  	_ =	sdelay $0x1  }
0x1b6: {  	s2 =	sshra.s32 s1, $0x2;
	v3 =	vshra.s32 v0, $0x7  }
0x1b7: {  	s1 =	sadd.s32 $0x200, s1;
	vm0 =	vlt.s32 v3, $0xA;
	v1 =	vld [tilespmem:s2+$0x2800];
	[tilespmem:s0+$0x6810] =	vst v4  }
0x1b8: {  	_ =	sdelay $0x2  }
0x1b9: {  	v3 =	vnsel vm0, $0xA, v3;
	v0 =	vand.u32 $0x7F, v0  }
0x1ba: {  	v2 =	vld.idx.msk [tilespmem:v2+s3+$0x0], $0xffff;
	v0 =	vmin.u32 v0, $0x32;
	v3 =	vshll.u32 v3, $0x7  }
0x1bb: {  	v0 =	vor.u32 v0, v3;
	_ =	sdelay $0x1  }
0x1bc: {  	v3 =	vshra.s32 v1, $0x7  }
0x1bd: {  	vm0 =	vlt.s32 v3, $0xA  }
0x1be: {  	v4 =	vld [tilespmem:s2+$0x2810];
	v1 =	vand.u32 $0x7F, v1;
	[tilespmem:s0+$0x6820] =	vst v2;
	v2 =	vnsel vm0, $0xA, v3  }
0x1bf: {  	v1 =	vmin.u32 v1, $0x32;
	v0 =	vld.idx.msk [tilespmem:v0+s3+$0x0], $0xffff;
	v2 =	vshll.u32 v2, $0x7  }
0x1c0: {  	v1 =	vor.u32 v1, v2;
	_ =	sdelay $0x2  }
0x1c1: {  	v3 =	vshra.s32 v4, $0x7  }
0x1c2: {  	vm0 =	vlt.s32 v3, $0xA;
	v2 =	vld [tilespmem:s2+$0x2820];
	[tilespmem:s0+$0x6830] =	vst v0  }
0x1c3: {  	v0 =	vld.idx.msk [tilespmem:v1+s3+$0x0], $0xffff;
	v1 =	vnsel vm0, $0xA, v3;
	v3 =	vand.u32 $0x7F, v4  }
0x1c4: {  	v3 =	vmin.u32 v3, $0x32;
	v1 =	vshll.u32 v1, $0x7  }
0x1c5: {  	v1 =	vor.u32 v3, v1;
	_ =	sdelay $0x1  }
0x1c6: {  	v3 =	vshra.s32 v2, $0x7  }
0x1c7: {  	vm0 =	vlt.s32 v3, $0xA;
	[tilespmem:s2+$0x6800] =	vst v0;
	v0 =	vld [tilespmem:s2+$0x2830]  }
0x1c8: {  	v2 =	vand.u32 $0x7F, v2;
	v3 =	vnsel vm0, $0xA, v3  }
0x1c9: {  	v2 =	vmin.u32 v2, $0x32;
	v3 =	vshll.u32 v3, $0x7;
	v1 =	vld.idx.msk [tilespmem:v1+s3+$0x0], $0xffff  }
0x1ca: {  	v2 =	vor.u32 v2, v3;
	_ =	sdelay $0x1  }
0x1cb: {  	v3 =	vshra.s32 v0, $0x7  }
0x1cc: {  	vm0 =	vlt.s32 v3, $0xA  }
0x1cd: {  	v0 =	vand.u32 $0x7F, v0;
	[tilespmem:s2+$0x6810] =	vst v1;
	v1 =	vnsel vm0, $0xA, v3  }
0x1ce: {  	v0 =	vmin.u32 v0, $0x32;
	v2 =	vld.idx.msk [tilespmem:v2+s3+$0x0], $0xffff;
	v1 =	vshll.u32 v1, $0x7  }
0x1cf: {  	v0 =	vor.u32 v0, v1;
	_ =	sdelay $0x3  }
0x1d0: {  	[tilespmem:s2+$0x6820] =	vst v2  }
0x1d1: {  	v0 =	vld.idx.msk [tilespmem:v0+s3+$0x0], $0xffff;
	_ =	sdelay $0x4  }
0x1d2: {  	[tilespmem:s2+$0x6830] =	vst v0;
	s2 =	simm.s32 $0x0  }
0x1d3: {  	[hbm4b:s16+s2] =	stream.linear.scatter [tilespmem:s28], [sflag:$0x5], $0x2000, $0x38;
	[tilespmem:$0x8800] =	vst v63  }
0x1d4: {  	_ =	swait.ge [sflag:s23], $0x2000  }
0x1d5: {  	[sflag:s23] =	ssyncset.done $0x0  }
0x1d6: {  	[sflag:s23] =	ssyncadd.s32 $0xFFFFE000  }
0x1d7: {  	[tilespmem:s24], [sflag:$0x3] =	stream.linear.gather [hbm4b:s17+s2], $0x2000, $0x38;
	[tilespmem:$0x8800] =	vst v63  }
0x1d8: {  	_ =	swait.ge [sflag:s29], $0x2000  }
0x1d9: {  	[sflag:s29] =	ssyncset.done $0x0  }
0x1da: {  	s0 =	simm.s32 $0x0;
	[sflag:s29] =	ssyncadd.s32 $0xFFFFE000  }
0x1db: {  	v0 =	vld [tilespmem:s0+$0x800];
	_ =	sdelay $0x4  }
0x1dc: {  	v1 =	vshra.s32 v0, $0x7  }
0x1dd: {  	v2 =	vld [tilespmem:s0+$0x810];
	vm0 =	vlt.s32 v1, $0xA  }
0x1de: {  	v0 =	vand.u32 $0x7F, v0;
	v1 =	vnsel vm0, $0xA, v1  }
0x1df: {  	v0 =	vmin.u32 v0, $0x32;
	v1 =	vshll.u32 v1, $0x7  }
0x1e0: {  	v0 =	vor.u32 v0, v1;
	_ =	sdelay $0x1  }
0x1e1: {  	v1 =	vshra.s32 v2, $0x7  }
0x1e2: {  	vm0 =	vlt.s32 v1, $0xA  }
0x1e3: {  	v2 =	vand.u32 $0x7F, v2;
	v1 =	vnsel vm0, $0xA, v1  }
0x1e4: {  	v2 =	vmin.u32 v2, $0x32;
	v1 =	vshll.u32 v1, $0x7;
	v0 =	vld.idx.msk [tilespmem:v0+s3+$0x0], $0xffff  }
0x1e5: {  	v1 =	vor.u32 v2, v1;
	v2 =	vld [tilespmem:s0+$0x820];
	_ =	sdelay $0x3  }
0x1e6: {  	[tilespmem:s0+$0x4800] =	vst v0  }
0x1e7: {  	v4 =	vld.idx.msk [tilespmem:v1+s3+$0x0], $0xffff;
	v1 =	vshra.s32 v2, $0x7  }
0x1e8: {  	vm0 =	vlt.s32 v1, $0xA  }
0x1e9: {  	v0 =	vld [tilespmem:s0+$0x830];
	v2 =	vand.u32 $0x7F, v2;
	v1 =	vnsel vm0, $0xA, v1  }
0x1ea: {  	v2 =	vmin.u32 v2, $0x32;
	v5 =	vshll.u32 v1, $0x7  }
0x1eb: {  	v2 =	vor.u32 v2, v5;
	_ =	sdelay $0x2  }
0x1ec: {  	s2 =	simm.s32 $0x80;
	v3 =	vshra.s32 v0, $0x7  }
0x1ed: {  	s1 =	simm.s32 $0x400;
	v1 =	vld [tilespmem:s2+$0x800];
	[tilespmem:s0+$0x4810] =	vst v4;
	vm0 =	vlt.s32 v3, $0xA  }
.LBB2_14:
0x1ee: {  	p0 =	sne.s32 s1, $0x7E00;
	v2 =	vld.idx.msk [tilespmem:v2+s3+$0x0], $0xffff;
	v3 =	vnsel vm0, $0xA, v3;
	v0 =	vand.u32 $0x7F, v0  }
0x1ef: {  	v0 =	vmin.u32 v0, $0x32;
	v3 =	vshll.u32 v3, $0x7  }
0x1f0: {  	v0 =	vor.u32 v0, v3;
	_ =	sdelay $0x2  }
0x1f1: {  	v3 =	vshra.s32 v1, $0x7  }
0x1f2: {  	vm0 =	vlt.s32 v3, $0xA;
	v4 =	vld [tilespmem:s2+$0x810];
	[tilespmem:s0+$0x4820] =	vst v2  }
0x1f3: {  	v1 =	vand.u32 $0x7F, v1;
	v2 =	vnsel vm0, $0xA, v3;
	v0 =	vld.idx.msk [tilespmem:v0+s3+$0x0], $0xffff  }
0x1f4: {  	v1 =	vmin.u32 v1, $0x32;
	v2 =	vshll.u32 v2, $0x7  }
0x1f5: {  	v1 =	vor.u32 v1, v2;
	_ =	sdelay $0x2  }
0x1f6: {  	v2 =	vshra.s32 v4, $0x7  }
0x1f7: {  	vm0 =	vlt.s32 v2, $0xA;
	v3 =	vld [tilespmem:s2+$0x820];
	[tilespmem:s0+$0x4830] =	vst v0;
	s0 =	smov.u32 s2  }
0x1f8: {  	v0 =	vld.idx.msk [tilespmem:v1+s3+$0x0], $0xffff;
	v1 =	vnsel vm0, $0xA, v2;
	v2 =	vand.u32 $0x7F, v4  }
0x1f9: {  	v2 =	vmin.u32 v2, $0x32;
	v1 =	vshll.u32 v1, $0x7  }
0x1fa: {  	v1 =	vor.u32 v2, v1;
	_ =	sdelay $0x2  }
0x1fb: {  	v2 =	vshra.s32 v3, $0x7  }
0x1fc: {  	vm0 =	vlt.s32 v2, $0xA;
	[tilespmem:s0+$0x4800] =	vst v0;
	v0 =	vld [tilespmem:s0+$0x830]  }
0x1fd: {  	v4 =	vld.idx.msk [tilespmem:v1+s3+$0x0], $0xffff;
	v1 =	vnsel vm0, $0xA, v2;
	v2 =	vand.u32 $0x7F, v3  }
0x1fe: {  	v2 =	vmin.u32 v2, $0x32;
	v1 =	vshll.u32 v1, $0x7  }
.Ltmp6:
0x1ff: {  	v2 =	vor.u32 v2, v1;
	(pc) =	sbr.rel @p0 .LBB2_14-.Ltmp6, $3  }
0x200: {  	_ =	sdelay $0x1  }
0x201: {  	s2 =	sshra.s32 s1, $0x2;
	v3 =	vshra.s32 v0, $0x7  }
0x202: {  	s1 =	sadd.s32 $0x200, s1;
	vm0 =	vlt.s32 v3, $0xA;
	v1 =	vld [tilespmem:s2+$0x800];
	[tilespmem:s0+$0x4810] =	vst v4  }
0x203: {  	_ =	sdelay $0x2  }
0x204: {  	v3 =	vnsel vm0, $0xA, v3;
	v0 =	vand.u32 $0x7F, v0  }
0x205: {  	v2 =	vld.idx.msk [tilespmem:v2+s3+$0x0], $0xffff;
	v0 =	vmin.u32 v0, $0x32;
	v3 =	vshll.u32 v3, $0x7  }
0x206: {  	v0 =	vor.u32 v0, v3;
	_ =	sdelay $0x1  }
0x207: {  	v3 =	vshra.s32 v1, $0x7  }
0x208: {  	vm0 =	vlt.s32 v3, $0xA  }
0x209: {  	v4 =	vld [tilespmem:s2+$0x810];
	v1 =	vand.u32 $0x7F, v1;
	[tilespmem:s0+$0x4820] =	vst v2;
	v2 =	vnsel vm0, $0xA, v3  }
0x20a: {  	v1 =	vmin.u32 v1, $0x32;
	v0 =	vld.idx.msk [tilespmem:v0+s3+$0x0], $0xffff;
	v2 =	vshll.u32 v2, $0x7  }
0x20b: {  	v1 =	vor.u32 v1, v2;
	_ =	sdelay $0x2  }
0x20c: {  	v3 =	vshra.s32 v4, $0x7  }
0x20d: {  	vm0 =	vlt.s32 v3, $0xA;
	v2 =	vld [tilespmem:s2+$0x820];
	[tilespmem:s0+$0x4830] =	vst v0  }
0x20e: {  	v0 =	vld.idx.msk [tilespmem:v1+s3+$0x0], $0xffff;
	v1 =	vnsel vm0, $0xA, v3;
	v3 =	vand.u32 $0x7F, v4  }
0x20f: {  	v3 =	vmin.u32 v3, $0x32;
	v1 =	vshll.u32 v1, $0x7  }
0x210: {  	v1 =	vor.u32 v3, v1;
	_ =	sdelay $0x1  }
0x211: {  	v3 =	vshra.s32 v2, $0x7  }
0x212: {  	vm0 =	vlt.s32 v3, $0xA;
	[tilespmem:s2+$0x4800] =	vst v0;
	v0 =	vld [tilespmem:s2+$0x830]  }
0x213: {  	v2 =	vand.u32 $0x7F, v2;
	v3 =	vnsel vm0, $0xA, v3  }
0x214: {  	v2 =	vmin.u32 v2, $0x32;
	v3 =	vshll.u32 v3, $0x7;
	v1 =	vld.idx.msk [tilespmem:v1+s3+$0x0], $0xffff  }
0x215: {  	v2 =	vor.u32 v2, v3;
	_ =	sdelay $0x1  }
0x216: {  	v3 =	vshra.s32 v0, $0x7  }
0x217: {  	vm0 =	vlt.s32 v3, $0xA  }
0x218: {  	v0 =	vand.u32 $0x7F, v0;
	[tilespmem:s2+$0x4810] =	vst v1;
	v1 =	vnsel vm0, $0xA, v3  }
0x219: {  	v0 =	vmin.u32 v0, $0x32;
	v2 =	vld.idx.msk [tilespmem:v2+s3+$0x0], $0xffff;
	v1 =	vshll.u32 v1, $0x7  }
0x21a: {  	v0 =	vor.u32 v0, v1;
	_ =	sdelay $0x3  }
0x21b: {  	[tilespmem:s2+$0x4820] =	vst v2  }
0x21c: {  	v0 =	vld.idx.msk [tilespmem:v0+s3+$0x0], $0xffff;
	_ =	sdelay $0x4  }
0x21d: {  	[tilespmem:s2+$0x4830] =	vst v0;
	s2 =	simm.s32 $0x0  }
0x21e: {  	[hbm4b:s18+s2] =	stream.linear.scatter [tilespmem:s25], [sflag:$0x4], $0x2000, $0x38;
	[tilespmem:$0x8800] =	vst v63  }
0x21f: {  	_ =	swait.ge [sflag:s26], $0x2000  }
0x220: {  	[sflag:s26] =	ssyncset.done $0x0  }
0x221: {  	[sflag:s26] =	ssyncadd.s32 $0xFFFFE000  }
0x222: {  	_ =	swait.ge [sflag:s30], $0x2000  }
0x223: {  	[sflag:s30] =	ssyncset.done $0x0  }
0x224: {  	s0 =	simm.s32 $0x0;
	[sflag:s30] =	ssyncadd.s32 $0xFFFFE000  }
0x225: {  	v0 =	vld [tilespmem:s0+$0x2800];
	_ =	sdelay $0x4  }
0x226: {  	v1 =	vshra.s32 v0, $0x7  }
0x227: {  	v2 =	vld [tilespmem:s0+$0x2810];
	vm0 =	vlt.s32 v1, $0xA  }
0x228: {  	v0 =	vand.u32 $0x7F, v0;
	v1 =	vnsel vm0, $0xA, v1  }
0x229: {  	v0 =	vmin.u32 v0, $0x32;
	v1 =	vshll.u32 v1, $0x7  }
0x22a: {  	v0 =	vor.u32 v0, v1;
	_ =	sdelay $0x1  }
0x22b: {  	v1 =	vshra.s32 v2, $0x7  }
0x22c: {  	vm0 =	vlt.s32 v1, $0xA  }
0x22d: {  	v2 =	vand.u32 $0x7F, v2;
	v1 =	vnsel vm0, $0xA, v1  }
0x22e: {  	v2 =	vmin.u32 v2, $0x32;
	v1 =	vshll.u32 v1, $0x7;
	v0 =	vld.idx.msk [tilespmem:v0+s3+$0x0], $0xffff  }
0x22f: {  	v1 =	vor.u32 v2, v1;
	v2 =	vld [tilespmem:s0+$0x2820];
	_ =	sdelay $0x3  }
0x230: {  	[tilespmem:s0+$0x6800] =	vst v0  }
0x231: {  	v4 =	vld.idx.msk [tilespmem:v1+s3+$0x0], $0xffff;
	v1 =	vshra.s32 v2, $0x7  }
0x232: {  	vm0 =	vlt.s32 v1, $0xA  }
0x233: {  	v0 =	vld [tilespmem:s0+$0x2830];
	v2 =	vand.u32 $0x7F, v2;
	v1 =	vnsel vm0, $0xA, v1  }
0x234: {  	v2 =	vmin.u32 v2, $0x32;
	v5 =	vshll.u32 v1, $0x7  }
0x235: {  	v2 =	vor.u32 v2, v5;
	_ =	sdelay $0x2  }
0x236: {  	s2 =	simm.s32 $0x80;
	v3 =	vshra.s32 v0, $0x7  }
0x237: {  	s1 =	simm.s32 $0x400;
	v1 =	vld [tilespmem:s2+$0x2800];
	[tilespmem:s0+$0x6810] =	vst v4;
	vm0 =	vlt.s32 v3, $0xA  }
.LBB2_16:
0x238: {  	p0 =	sne.s32 s1, $0x7E00;
	v2 =	vld.idx.msk [tilespmem:v2+s3+$0x0], $0xffff;
	v3 =	vnsel vm0, $0xA, v3;
	v0 =	vand.u32 $0x7F, v0  }
0x239: {  	v0 =	vmin.u32 v0, $0x32;
	v3 =	vshll.u32 v3, $0x7  }
0x23a: {  	v0 =	vor.u32 v0, v3;
	_ =	sdelay $0x2  }
0x23b: {  	v3 =	vshra.s32 v1, $0x7  }
0x23c: {  	vm0 =	vlt.s32 v3, $0xA;
	v4 =	vld [tilespmem:s2+$0x2810];
	[tilespmem:s0+$0x6820] =	vst v2  }
0x23d: {  	v1 =	vand.u32 $0x7F, v1;
	v2 =	vnsel vm0, $0xA, v3;
	v0 =	vld.idx.msk [tilespmem:v0+s3+$0x0], $0xffff  }
0x23e: {  	v1 =	vmin.u32 v1, $0x32;
	v2 =	vshll.u32 v2, $0x7  }
0x23f: {  	v1 =	vor.u32 v1, v2;
	_ =	sdelay $0x2  }
0x240: {  	v2 =	vshra.s32 v4, $0x7  }
0x241: {  	vm0 =	vlt.s32 v2, $0xA;
	v3 =	vld [tilespmem:s2+$0x2820];
	[tilespmem:s0+$0x6830] =	vst v0;
	s0 =	smov.u32 s2  }
0x242: {  	v0 =	vld.idx.msk [tilespmem:v1+s3+$0x0], $0xffff;
	v1 =	vnsel vm0, $0xA, v2;
	v2 =	vand.u32 $0x7F, v4  }
0x243: {  	v2 =	vmin.u32 v2, $0x32;
	v1 =	vshll.u32 v1, $0x7  }
0x244: {  	v1 =	vor.u32 v2, v1;
	_ =	sdelay $0x2  }
0x245: {  	v2 =	vshra.s32 v3, $0x7  }
0x246: {  	vm0 =	vlt.s32 v2, $0xA;
	[tilespmem:s0+$0x6800] =	vst v0;
	v0 =	vld [tilespmem:s0+$0x2830]  }
0x247: {  	v4 =	vld.idx.msk [tilespmem:v1+s3+$0x0], $0xffff;
	v1 =	vnsel vm0, $0xA, v2;
	v2 =	vand.u32 $0x7F, v3  }
0x248: {  	v2 =	vmin.u32 v2, $0x32;
	v1 =	vshll.u32 v1, $0x7  }
.Ltmp7:
0x249: {  	v2 =	vor.u32 v2, v1;
	(pc) =	sbr.rel @p0 .LBB2_16-.Ltmp7, $3  }
0x24a: {  	_ =	sdelay $0x1  }
0x24b: {  	s2 =	sshra.s32 s1, $0x2;
	v3 =	vshra.s32 v0, $0x7  }
0x24c: {  	s1 =	sadd.s32 $0x200, s1;
	vm0 =	vlt.s32 v3, $0xA;
	v1 =	vld [tilespmem:s2+$0x2800];
	[tilespmem:s0+$0x6810] =	vst v4  }
0x24d: {  	_ =	sdelay $0x2  }
0x24e: {  	v3 =	vnsel vm0, $0xA, v3;
	v0 =	vand.u32 $0x7F, v0  }
0x24f: {  	v2 =	vld.idx.msk [tilespmem:v2+s3+$0x0], $0xffff;
	v0 =	vmin.u32 v0, $0x32;
	v3 =	vshll.u32 v3, $0x7  }
0x250: {  	v0 =	vor.u32 v0, v3;
	_ =	sdelay $0x1  }
0x251: {  	v53 =	vshra.s32 v1, $0x7  }
0x252: {  	v4 =	vld [tilespmem:s2+$0x2810];
	vm12 =	vlt.s32 v53, $0xA  }
0x253: {  	v55 =	vand.u32 $0x7F, v1;
	[tilespmem:s0+$0x6820] =	vst v2;
	v54 =	vnsel vm12, $0xA, v53  }
0x254: {  	v1 =	vmin.u32 v55, $0x32;
	v0 =	vld.idx.msk [tilespmem:v0+s3+$0x0], $0xffff;
	v2 =	vshll.u32 v54, $0x7  }
0x255: {  	v1 =	vor.u32 v1, v2;
	_ =	sdelay $0x1  }
0x256: {  	v57 =	vshra.s32 v4, $0x7  }
0x257: {  	v56 =	vld [tilespmem:s2+$0x2820];
	vm13 =	vlt.s32 v57, $0xA  }
0x258: {  	v59 =	vand.u32 $0x7F, v4;
	v58 =	vnsel vm13, $0xA, v57;
	[tilespmem:s0+$0x6830] =	vst v0  }
0x259: {  	v3 =	vmin.u32 v59, $0x32;
	v0 =	vld.idx.msk [tilespmem:v1+s3+$0x0], $0xffff;
	v1 =	vshll.u32 v58, $0x7  }
0x25a: {  	v1 =	vor.u32 v3, v1;
	_ =	sdelay $0x1  }
0x25b: {  	v60 =	vshra.s32 v56, $0x7  }
0x25c: {  	vm14 =	vlt.s32 v60, $0xA;
	v61 =	vld [tilespmem:s2+$0x2830]  }
0x25d: {  	v2 =	vand.u32 $0x7F, v56;
	v3 =	vnsel vm14, $0xA, v60;
	[tilespmem:s2+$0x6800] =	vst v0  }
0x25e: {  	v2 =	vmin.u32 v2, $0x32;
	v3 =	vshll.u32 v3, $0x7;
	v1 =	vld.idx.msk [tilespmem:v1+s3+$0x0], $0xffff  }
0x25f: {  	v2 =	vor.u32 v2, v3;
	_ =	sdelay $0x1  }
0x260: {  	v62 =	vshra.s32 v61, $0x7  }
0x261: {  	vm15 =	vlt.s32 v62, $0xA  }
0x262: {  	v0 =	vand.u32 $0x7F, v61;
	v63 =	vnsel vm15, $0xA, v62;
	[tilespmem:s2+$0x6810] =	vst v1  }
0x263: {  	v0 =	vmin.u32 v0, $0x32;
	v1 =	vshll.u32 v63, $0x7;
	v2 =	vld.idx.msk [tilespmem:v2+s3+$0x0], $0xffff  }
0x264: {  	v0 =	vor.u32 v0, v1;
	_ =	sdelay $0x3  }
0x265: {  	[tilespmem:s2+$0x6820] =	vst v2  }
0x266: {  	v0 =	vld.idx.msk [tilespmem:v0+s3+$0x0], $0xffff;
	_ =	sdelay $0x4  }
0x267: {  	s31 =	sadd.s32 $0x1, s31;
	[tilespmem:s2+$0x6830] =	vst v0  }
0x268: {  	[hbm4b:s19+s3] =	stream.linear.scatter [tilespmem:s28], [sflag:$0x5], $0x2000, $0x38;
	[tilespmem:$0x8800] =	vst v63  }
0x269: {  	p0 =	sne.s32 s31, s20;
	_ =	swait.ge [sflag:s29], $0x2000  }
.Ltmp8:
0x26a: {  	[sflag:s29] =	ssyncset.done $0x0;
	(pc) =	sbr.rel @p0 .LBB2_1-.Ltmp8, $4  }
0x26b: {  	[sflag:s29] =	ssyncadd.s32 $0xFFFFE000  }
0x26c: {  	_ =	swait.ge [sflag:s30], $0x2000  }
0x26d: {  	[sflag:s30] =	ssyncset.done $0x0  }
0x26e: {  	[sflag:s30] =	ssyncadd.s32 $0xFFFFE000  }
0x26f: {  	_ =	sfence.sel $0x180000  }
0x270: {  	[bflag:$0x0] =	sbarrier.arrive $0xFFFF  }
0x271: {  	_ =	strace $0x90000047  }
0x272: {  	s0 =	stileid.u32;
	[bflag:$0x2] =	sbarrier.arrive $0xFFFF  }
0x273: {  	p0 =	sne.s32 s0, $0x0;
	s0 =	rddreg [dreg:$0x2]  }
0x274: {  	s0 =	sadd.s32 @!p0 $0x100000, s0  }
0x275: {  	[sflag:s0] =	ssyncadd.tile.s32 @!p0 $0x1;
	_ =	shalt  }
.Lfunc_end2:
_tile_overlayer_lowered:
.L_overlay_start_2:
0x276: {  	(tag) =	ssettag $0x2  }
0x277: {  	s0 =	rddreg [dreg:$0x0];
	s2 =	stileid.u32  }
0x278: {  	s1 =	rddreg [dreg:$0x1];
	p0 =	sne.s32 s2, $0x0  }
0x279: {  	s3 =	rddreg [dreg:$0x2];
	[bflag:$0x3] =	sbarrier.arrive $0xFFFF;
	s2 =	simm.s32 @!p0 $0x1C06  }
0x27a: {  	[timem:s3], [sflag:s2] =	dma.local @!p0 [hbm:s0], s1  }
0x27b: {  	s0 =	simm.s32 @!p0 $0x6  }
0x27c: {  	_ =	swait.ge @!p0 [sflag:s0], s1  }
0x27d: {  	s1 =	ssub.s32 @!p0 $0x0, s1;
	[sflag:s0] =	ssyncset.done @!p0 $0x0  }
0x27e: {  	[sflag:s0] =	ssyncadd.s32 @!p0 s1  }
0x27f: {  	[bflag:$0x3] =	sbarrier.arrive $0xFFFF  }
0x280: {  	_ =	shalt  }

</sc_bundles>
